<compile_context>
chip_gen: v7x
topology: tpu7x:2x2x1
jax: 0.10.2.dev20260603
libtpu: 0.0.44.dev20260713+nightly
codegen_flags: <defaults>
</compile_context>

<pallas_src>
import jax
import jax.numpy as jnp
from jax import lax
from jax.experimental import pallas as pl
from jax.experimental.pallas import tpu as pltpu
from jax.experimental.pallas import tpu_sc as plsc

C = 26
V = 100001
CLS = 28
ID = 4
DM = 32
B = 16384

NC = 2
NS = 16
NW = NC * NS
SEG = 128
NSEG = 4
CHUNK = SEG * NSEG
P = B // CHUNK
T = C * P
TPW = T // NW
G = 16


def _body(xt_hbm, tab_hbm, out_hbm, idx_v, rows_v, blk_v, sem):
    wid = lax.axis_index("s") * NC + lax.axis_index("c")
    lanes = lax.iota(jnp.int32, 16)

    def task(j, _):
        t = wid * TPW + j
        c = t // P
        b0 = (t % P) * CHUNK
        pltpu.sync_copy(xt_hbm.at[pl.ds(t * NSEG, NSEG)], idx_v)

        def group(g, _):
            iv = idx_v[g // (SEG // G), pl.ds((g % (SEG // G)) * G, G)]
            av = (iv // 8) * 8
            copies = []
            for k in range(G):
                i_al = pl.multiple_of(av[k], 8)
                copies.append(
                    pltpu.async_copy(
                        tab_hbm.at[c, pl.ds(i_al, 8)], blk_v.at[k], sem
                    )
                )
            for cp in copies:
                cp.wait()
            rvec = iv % 8
            rowb = g * G + lanes
            for col in range(CLS):
                cvec = lanes * 0 + col
                vals = plsc.load_gather(blk_v, [lanes, rvec, cvec])
                plsc.store_scatter(rows_v, [rowb, cvec], vals)
            return 0

        lax.fori_loop(0, CHUNK // G, group, 0)
        pltpu.sync_copy(rows_v, out_hbm.at[c, pl.ds(b0, CHUNK)])
        return 0

    lax.fori_loop(0, TPW, task, 0)


def kernel(x_cat, col_id, tables):
    xt = x_cat.T.reshape(C * B // SEG, SEG)

    mesh = plsc.VectorSubcoreMesh(core_axis_name="c", subcore_axis_name="s")
    f = pl.kernel(
        _body,
        out_type=jax.ShapeDtypeStruct((C, B, CLS), jnp.float32),
        mesh=mesh,
        scratch_types=[
            pltpu.VMEM((NSEG, SEG), jnp.int32),
            pltpu.VMEM((CHUNK, CLS), jnp.float32),
            pltpu.VMEM((G, 8, CLS), jnp.float32),
            pltpu.SemaphoreType.DMA,
        ],
        compiler_params=pltpu.CompilerParams(needs_layout_passes=False),
    )
    cls_t = f(xt, tables)
    cid = jnp.broadcast_to(col_id[None, :, :], (B, C, ID))
    return jnp.concatenate([cid, cls_t.transpose(1, 0, 2)], axis=-1)

# --- scband reference (transcript-rebuilt; emitter-appended) ---
"""Pipeline reference for scband-column-embedding-5841155522875 (READ-ONLY COPY).

The authoritative reference and input builder live on the scoring server;
editing this copy changes nothing except your own understanding.
"""

import jax, jax.numpy as jnp
import numpy as np

NUM_COLS = 26
VOCAB = 100000
D_MODEL = 32
ID_FRAC = 8
ID_DIM = D_MODEL // ID_FRAC      # 4
CLS_DIM = D_MODEL - ID_DIM       # 28
BATCH = 16384


def setup_inputs(seed: int = 0) -> dict:
    key = jax.random.key(seed)
    k1, k2, k3 = jax.random.split(key, 3)
    x_cat = jax.random.randint(k1, (BATCH, NUM_COLS), 0, VOCAB).astype(jnp.int32)
    # nn.Embedding default init: N(0, 1)
    col_id = jax.random.normal(k2, (NUM_COLS, ID_DIM), dtype=jnp.float32)
    # per-column class-embedding tables, each (num_cat + 1, cls_dim), stacked
    tables = jax.random.normal(k3, (NUM_COLS, VOCAB + 1, CLS_DIM), dtype=jnp.float32)
    return {"x_cat": x_cat, "col_id": col_id, "tables": tables}


def reference(x_cat, col_id, tables):
    # 'concat' mode: per-column class embedding gather + column-id embedding concat
    B = x_cat.shape[0]
    col_idx = jnp.arange(NUM_COLS)
    # gather: cls_emb[b, c, :] = tables[c, x_cat[b, c], :]
    cls_emb = tables[col_idx[None, :], x_cat]                 # (B, C, CLS_DIM)
    cid = jnp.broadcast_to(col_id[None, :, :], (B, NUM_COLS, ID_DIM))  # (B, C, ID_DIM)
    out = jnp.concatenate([cid, cls_emb], axis=-1)            # (B, C, D_MODEL)
    return out

if __name__ == "__main__":
    import jax
    _d = setup_inputs()
    print(jax.jit(kernel)(*tuple(_d.values())))

</pallas_src>

<mosaic_0001>
#map = affine_map<(d0, d1) -> (0, 0)>
#map1 = affine_map<(d0, d1) -> (0, 0, 0)>
module attributes {stable_mosaic.version = 14 : i64} {
  func.func @_body(%arg0: i32, %arg1: i32, %arg2: memref<3328x128xi32, #tpu.memory_space<hbm>>, %arg3: memref<26x100001x28xf32, #tpu.memory_space<hbm>>, %arg4: memref<26x16384x28xf32, #tpu.memory_space<hbm>>, %arg5: memref<4x128xi32, #tpu.memory_space<vmem>>, %arg6: memref<512x28xf32, #tpu.memory_space<vmem>>, %arg7: memref<16x8x28xf32, #tpu.memory_space<vmem>>, %arg8: memref<!tpu.dma_semaphore, #tpu.memory_space<semaphore_mem>>) attributes {dimension_semantics = [#tpu.dimension_semantics<core_parallel>, #tpu.dimension_semantics<subcore_parallel>], iteration_bounds = array<i64: 2, 16>, scalar_prefetch = 0 : i64, scratch_operands = 4 : i64, tpu.core_type = #tpu.core_type<sc_vector_subcore>, window_params = [{transform_indices = #map}, {transform_indices = #map1}, {transform_indices = #map1}]} {
    %mul3A = arith.constant 2 : i32
    %mul3A_0 = arith.muli %arg1, %mul3A : i32
    %add3A = arith.addi %mul3A_0, %arg0 : i32
    %iota3A = tpu.iota {dimensions = array<i32: 0>} : vector<16xi32>
    %scan3A = arith.constant 0 : i32
    %scan3A_1 = arith.constant 0 : i32
    %scan3A_2 = arith.constant 26 : i32
    %scan3A_3 = arith.addi %scan3A_1, %scan3A_2 : i32
    %scan3A_4 = arith.constant 1 : i32
    %scan3A_5 = scf.for %scan3A_7 = %scan3A_1 to %scan3A_3 step %scan3A_4 iter_args(%scan3A_8 = %scan3A) -> (i32)  : i32 {
      %mul3A_9 = arith.constant 26 : i32
      %mul3A_10 = arith.muli %add3A, %mul3A_9 : i32
      %add3A_11 = arith.addi %mul3A_10, %scan3A_7 : i32
      %jit3A = arith.constant 32 : i32
      %div3A = arith.divsi %add3A_11, %jit3A : i32
      %sign3A = arith.constant 0 : i32
      %sign3A_12 = arith.cmpi sgt, %add3A_11, %sign3A : i32
      %sign3A_13 = arith.extui %sign3A_12 : i1 to i32
      %sign3A_14 = arith.constant 0 : i32
      %sign3A_15 = arith.cmpi slt, %add3A_11, %sign3A_14 : i32
      %sign3A_16 = arith.extui %sign3A_15 : i1 to i32
      %sign3A_17 = arith.subi %sign3A_13, %sign3A_16 : i32
      %sign3A_18 = arith.constant 0 : i32
      %sign3A_19 = arith.cmpi sgt, %jit3A, %sign3A_18 : i32
      %sign3A_20 = arith.extui %sign3A_19 : i1 to i32
      %sign3A_21 = arith.constant 0 : i32
      %sign3A_22 = arith.cmpi slt, %jit3A, %sign3A_21 : i32
      %sign3A_23 = arith.extui %sign3A_22 : i1 to i32
      %sign3A_24 = arith.subi %sign3A_20, %sign3A_23 : i32
      %ne3A = arith.cmpi ne, %sign3A_17, %sign3A_24 : i32
      %rem3A = arith.remsi %add3A_11, %jit3A : i32
      %ne3A_25 = arith.constant 0 : i32
      %ne3A_26 = arith.cmpi ne, %rem3A, %ne3A_25 : i32
      %and3A = arith.andi %ne3A, %ne3A_26 : i1
      %sub3A = arith.constant 1 : i32
      %sub3A_27 = arith.subi %div3A, %sub3A : i32
      %select_n3A = arith.select %and3A, %sub3A_27, %div3A : i32
      %jit3A_28 = arith.constant 32 : i32
      %eq3A = arith.constant 0 : i32
      %eq3A_29 = arith.cmpi eq, %jit3A_28, %eq3A : i32
      %jit3A_30 = arith.constant 1 : i32
      %select_n3A_31 = arith.select %eq3A_29, %jit3A_30, %jit3A_28 : i32
      %rem3A_32 = arith.remsi %add3A_11, %select_n3A_31 : i32
      %ne3A_33 = arith.constant 0 : i32
      %ne3A_34 = arith.cmpi ne, %rem3A_32, %ne3A_33 : i32
      %lt3A = arith.constant 0 : i32
      %lt3A_35 = arith.cmpi slt, %rem3A_32, %lt3A : i32
      %lt3A_36 = arith.constant 0 : i32
      %lt3A_37 = arith.cmpi slt, %select_n3A_31, %lt3A_36 : i32
      %ne3A_38 = arith.xori %lt3A_35, %lt3A_37 : i1
      %and3A_39 = arith.andi %ne3A_38, %ne3A_34 : i1
      %add3A_40 = arith.addi %rem3A_32, %select_n3A_31 : i32
      %select_n3A_41 = arith.select %and3A_39, %add3A_40, %rem3A_32 : i32
      %mul3A_42 = arith.constant 512 : i32
      %mul3A_43 = arith.muli %select_n3A_41, %mul3A_42 : i32
      %mul3A_44 = arith.constant 4 : i32
      %mul3A_45 = arith.muli %add3A_11, %mul3A_44 : i32
      "tpu.region"() ({
        %run_scoped3A = tpu.sem_alloc : memref<!tpu.dma_semaphore, #tpu.memory_space<semaphore_mem>>
        %dma_start3A = arith.constant 0 : i32
        %dma_start3A_54 = tpu.memref_slice %arg2[%mul3A_45, %dma_start3A] : memref<3328x128xi32, #tpu.memory_space<hbm>> -> memref<4x128xi32, #tpu.memory_space<hbm>>
        %dma_start3A_55 = arith.constant 0 : i32
        %dma_start3A_56 = tpu.memref_slice %arg2[%mul3A_45, %dma_start3A_55] : memref<3328x128xi32, #tpu.memory_space<hbm>> -> memref<4x128xi32, #tpu.memory_space<hbm>>
        tpu.enqueue_dma source(%dma_start3A_56 : memref<4x128xi32, #tpu.memory_space<hbm>>) target(%arg5 : memref<4x128xi32, #tpu.memory_space<vmem>>) target_semaphore(%run_scoped3A : memref<!tpu.dma_semaphore, #tpu.memory_space<semaphore_mem>>)
        %dma_wait3A = arith.constant 0 : i32
        %dma_wait3A_57 = tpu.memref_slice %arg2[%mul3A_45, %dma_wait3A] : memref<3328x128xi32, #tpu.memory_space<hbm>> -> memref<4x128xi32, #tpu.memory_space<hbm>>
        %dma_wait3A_58 = arith.constant 0 : i32
        %dma_wait3A_59 = tpu.memref_slice %arg2[%mul3A_45, %dma_wait3A_58] : memref<3328x128xi32, #tpu.memory_space<hbm>> -> memref<4x128xi32, #tpu.memory_space<hbm>>
        tpu.wait_dma2 semaphore(%run_scoped3A : memref<!tpu.dma_semaphore, #tpu.memory_space<semaphore_mem>>) src(%dma_wait3A_59 : memref<4x128xi32, #tpu.memory_space<hbm>>) dst(%arg5 : memref<4x128xi32, #tpu.memory_space<vmem>>)
        tpu.yield
      }) : () -> ()
      %scan3A_46 = arith.constant 0 : i32
      %scan3A_47 = arith.constant 0 : i32
      %scan3A_48 = arith.constant 32 : i32
      %scan3A_49 = arith.addi %scan3A_47, %scan3A_48 : i32
      %scan3A_50 = arith.constant 1 : i32
      %scan3A_51 = scf.for %scan3A_54 = %scan3A_47 to %scan3A_49 step %scan3A_50 iter_args(%scan3A_55 = %scan3A_46) -> (i32)  : i32 {
        %jit3A_56 = arith.constant 8 : i32
        %div3A_57 = arith.divsi %scan3A_54, %jit3A_56 : i32
        %sign3A_58 = arith.constant 0 : i32
        %sign3A_59 = arith.cmpi sgt, %scan3A_54, %sign3A_58 : i32
        %sign3A_60 = arith.extui %sign3A_59 : i1 to i32
        %sign3A_61 = arith.constant 0 : i32
        %sign3A_62 = arith.cmpi slt, %scan3A_54, %sign3A_61 : i32
        %sign3A_63 = arith.extui %sign3A_62 : i1 to i32
        %sign3A_64 = arith.subi %sign3A_60, %sign3A_63 : i32
        %sign3A_65 = arith.constant 0 : i32
        %sign3A_66 = arith.cmpi sgt, %jit3A_56, %sign3A_65 : i32
        %sign3A_67 = arith.extui %sign3A_66 : i1 to i32
        %sign3A_68 = arith.constant 0 : i32
        %sign3A_69 = arith.cmpi slt, %jit3A_56, %sign3A_68 : i32
        %sign3A_70 = arith.extui %sign3A_69 : i1 to i32
        %sign3A_71 = arith.subi %sign3A_67, %sign3A_70 : i32
        %ne3A_72 = arith.cmpi ne, %sign3A_64, %sign3A_71 : i32
        %rem3A_73 = arith.remsi %scan3A_54, %jit3A_56 : i32
        %ne3A_74 = arith.constant 0 : i32
        %ne3A_75 = arith.cmpi ne, %rem3A_73, %ne3A_74 : i32
        %and3A_76 = arith.andi %ne3A_72, %ne3A_75 : i1
        %sub3A_77 = arith.constant 1 : i32
        %sub3A_78 = arith.subi %div3A_57, %sub3A_77 : i32
        %select_n3A_79 = arith.select %and3A_76, %sub3A_78, %div3A_57 : i32
        %jit3A_80 = arith.constant 8 : i32
        %eq3A_81 = arith.constant 0 : i32
        %eq3A_82 = arith.cmpi eq, %jit3A_80, %eq3A_81 : i32
        %jit3A_83 = arith.constant 1 : i32
        %select_n3A_84 = arith.select %eq3A_82, %jit3A_83, %jit3A_80 : i32
        %rem3A_85 = arith.remsi %scan3A_54, %select_n3A_84 : i32
        %ne3A_86 = arith.constant 0 : i32
        %ne3A_87 = arith.cmpi ne, %rem3A_85, %ne3A_86 : i32
        %lt3A_88 = arith.constant 0 : i32
        %lt3A_89 = arith.cmpi slt, %rem3A_85, %lt3A_88 : i32
        %lt3A_90 = arith.constant 0 : i32
        %lt3A_91 = arith.cmpi slt, %select_n3A_84, %lt3A_90 : i32
        %ne3A_92 = arith.xori %lt3A_89, %lt3A_91 : i1
        %and3A_93 = arith.andi %ne3A_92, %ne3A_87 : i1
        %add3A_94 = arith.addi %rem3A_85, %select_n3A_84 : i32
        %select_n3A_95 = arith.select %and3A_93, %add3A_94, %rem3A_85 : i32
        %mul3A_96 = arith.constant 16 : i32
        %mul3A_97 = arith.muli %select_n3A_95, %mul3A_96 : i32
        %get3A = arith.index_cast %select_n3A_79 : i32 to index
        %get3A_98 = arith.index_cast %mul3A_97 : i32 to index
        %get3A_99 = tpu.vector_load %arg5[%get3A, %get3A_98] {strides = array<i32>} : memref<4x128xi32, #tpu.memory_space<vmem>>, vector<16xi32>,
        %jit3A_100 = arith.constant 8 : i32
        %div3A_101 = vector.broadcast %jit3A_100 : i32 to vector<16xi32>
        %div3A_102 = arith.divsi %get3A_99, %div3A_101 : vector<16xi32>
        %sign3A_103 = arith.constant 0 : i32
        %sign3A_104 = vector.broadcast %sign3A_103 : i32 to vector<16xi32>
        %sign3A_105 = arith.cmpi sgt, %get3A_99, %sign3A_104 : vector<16xi32>
        %sign3A_106 = arith.extui %sign3A_105 : vector<16xi1> to vector<16xi32>
        %sign3A_107 = arith.constant 0 : i32
        %sign3A_108 = vector.broadcast %sign3A_107 : i32 to vector<16xi32>
        %sign3A_109 = arith.cmpi slt, %get3A_99, %sign3A_108 : vector<16xi32>
        %sign3A_110 = arith.extui %sign3A_109 : vector<16xi1> to vector<16xi32>
        %sign3A_111 = arith.subi %sign3A_106, %sign3A_110 : vector<16xi32>
        %sign3A_112 = arith.constant 0 : i32
        %sign3A_113 = arith.cmpi sgt, %jit3A_100, %sign3A_112 : i32
        %sign3A_114 = arith.extui %sign3A_113 : i1 to i32
        %sign3A_115 = arith.constant 0 : i32
        %sign3A_116 = arith.cmpi slt, %jit3A_100, %sign3A_115 : i32
        %sign3A_117 = arith.extui %sign3A_116 : i1 to i32
        %sign3A_118 = arith.subi %sign3A_114, %sign3A_117 : i32
        %ne3A_119 = vector.broadcast %sign3A_118 : i32 to vector<16xi32>
        %ne3A_120 = arith.cmpi ne, %sign3A_111, %ne3A_119 : vector<16xi32>
        %rem3A_121 = vector.broadcast %jit3A_100 : i32 to vector<16xi32>
        %rem3A_122 = arith.remsi %get3A_99, %rem3A_121 : vector<16xi32>
        %ne3A_123 = arith.constant 0 : i32
        %ne3A_124 = vector.broadcast %ne3A_123 : i32 to vector<16xi32>
        %ne3A_125 = arith.cmpi ne, %rem3A_122, %ne3A_124 : vector<16xi32>
        %and3A_126 = arith.andi %ne3A_120, %ne3A_125 : vector<16xi1>
        %sub3A_127 = arith.constant 1 : i32
        %sub3A_128 = vector.broadcast %sub3A_127 : i32 to vector<16xi32>
        %sub3A_129 = arith.subi %div3A_102, %sub3A_128 : vector<16xi32>
        %select_n3A_130 = arith.select %and3A_126, %sub3A_129, %div3A_102 : vector<16xi1>, vector<16xi32>
        %mul3A_131 = arith.constant 8 : i32
        %mul3A_132 = vector.broadcast %mul3A_131 : i32 to vector<16xi32>
        %mul3A_133 = arith.muli %select_n3A_130, %mul3A_132 : vector<16xi32>
        %slice3A = vector.extract_strided_slice %mul3A_133 {offsets = [0], sizes = [1], strides = [1]} : vector<16xi32> to vector<1xi32>
        %squeeze3A = vector.extract %slice3A[0] : i32 from vector<1xi32>
        %multiple_of3A = tpu.assume_multiple %squeeze3A, 8 : i32
        %dma_start3A = arith.constant 0 : i32
        %dma_start3A_134 = arith.constant 0 : i32
        %dma_start3A_135 = arith.constant 0 : i32
        %dma_start3A_136 = tpu.memref_slice %arg7[%dma_start3A, %dma_start3A_134, %dma_start3A_135] : memref<16x8x28xf32, #tpu.memory_space<vmem>> -> memref<1x8x28xf32, #tpu.memory_space<vmem>>
        %dma_start3A_137 = tpu.memref_squeeze %dma_start3A_136 : memref<1x8x28xf32, #tpu.memory_space<vmem>> -> memref<8x28xf32, #tpu.memory_space<vmem>>
        %dma_start3A_138 = arith.constant 0 : i32
        %dma_start3A_139 = tpu.memref_slice %arg3[%select_n3A, %multiple_of3A, %dma_start3A_138] : memref<26x100001x28xf32, #tpu.memory_space<hbm>> -> memref<1x8x28xf32, #tpu.memory_space<hbm>>
        %dma_start3A_140 = tpu.memref_squeeze %dma_start3A_139 : memref<1x8x28xf32, #tpu.memory_space<hbm>> -> memref<8x28xf32, #tpu.memory_space<hbm>>
        %dma_start3A_141 = arith.constant 0 : i32
        %dma_start3A_142 = arith.constant 0 : i32
        %dma_start3A_143 = tpu.memref_slice %arg7[%dma_start3A, %dma_start3A_141, %dma_start3A_142] : memref<16x8x28xf32, #tpu.memory_space<vmem>> -> memref<1x8x28xf32, #tpu.memory_space<vmem>>
        %dma_start3A_144 = tpu.memref_squeeze %dma_start3A_143 : memref<1x8x28xf32, #tpu.memory_space<vmem>> -> memref<8x28xf32, #tpu.memory_space<vmem>>
        %dma_start3A_145 = arith.constant 0 : i32
        %dma_start3A_146 = tpu.memref_slice %arg3[%select_n3A, %multiple_of3A, %dma_start3A_145] : memref<26x100001x28xf32, #tpu.memory_space<hbm>> -> memref<1x8x28xf32, #tpu.memory_space<hbm>>
        %dma_start3A_147 = tpu.memref_squeeze %dma_start3A_146 : memref<1x8x28xf32, #tpu.memory_space<hbm>> -> memref<8x28xf32, #tpu.memory_space<hbm>>
        tpu.enqueue_dma source(%dma_start3A_147 : memref<8x28xf32, #tpu.memory_space<hbm>>) target(%dma_start3A_144 : memref<8x28xf32, #tpu.memory_space<vmem>>) target_semaphore(%arg8 : memref<!tpu.dma_semaphore, #tpu.memory_space<semaphore_mem>>)
        %slice3A_148 = vector.extract_strided_slice %mul3A_133 {offsets = [1], sizes = [1], strides = [1]} : vector<16xi32> to vector<1xi32>
        %squeeze3A_149 = vector.extract %slice3A_148[0] : i32 from vector<1xi32>
        %multiple_of3A_150 = tpu.assume_multiple %squeeze3A_149, 8 : i32
        %dma_start3A_151 = arith.constant 1 : i32
        %dma_start3A_152 = arith.constant 0 : i32
        %dma_start3A_153 = arith.constant 0 : i32
        %dma_start3A_154 = tpu.memref_slice %arg7[%dma_start3A_151, %dma_start3A_152, %dma_start3A_153] : memref<16x8x28xf32, #tpu.memory_space<vmem>> -> memref<1x8x28xf32, #tpu.memory_space<vmem>>
        %dma_start3A_155 = tpu.memref_squeeze %dma_start3A_154 : memref<1x8x28xf32, #tpu.memory_space<vmem>> -> memref<8x28xf32, #tpu.memory_space<vmem>>
        %dma_start3A_156 = arith.constant 0 : i32
        %dma_start3A_157 = tpu.memref_slice %arg3[%select_n3A, %multiple_of3A_150, %dma_start3A_156] : memref<26x100001x28xf32, #tpu.memory_space<hbm>> -> memref<1x8x28xf32, #tpu.memory_space<hbm>>
        %dma_start3A_158 = tpu.memref_squeeze %dma_start3A_157 : memref<1x8x28xf32, #tpu.memory_space<hbm>> -> memref<8x28xf32, #tpu.memory_space<hbm>>
        %dma_start3A_159 = arith.constant 0 : i32
        %dma_start3A_160 = arith.constant 0 : i32
        %dma_start3A_161 = tpu.memref_slice %arg7[%dma_start3A_151, %dma_start3A_159, %dma_start3A_160] : memref<16x8x28xf32, #tpu.memory_space<vmem>> -> memref<1x8x28xf32, #tpu.memory_space<vmem>>
        %dma_start3A_162 = tpu.memref_squeeze %dma_start3A_161 : memref<1x8x28xf32, #tpu.memory_space<vmem>> -> memref<8x28xf32, #tpu.memory_space<vmem>>
        %dma_start3A_163 = arith.constant 0 : i32
        %dma_start3A_164 = tpu.memref_slice %arg3[%select_n3A, %multiple_of3A_150, %dma_start3A_163] : memref<26x100001x28xf32, #tpu.memory_space<hbm>> -> memref<1x8x28xf32, #tpu.memory_space<hbm>>
        %dma_start3A_165 = tpu.memref_squeeze %dma_start3A_164 : memref<1x8x28xf32, #tpu.memory_space<hbm>> -> memref<8x28xf32, #tpu.memory_space<hbm>>
        tpu.enqueue_dma source(%dma_start3A_165 : memref<8x28xf32, #tpu.memory_space<hbm>>) target(%dma_start3A_162 : memref<8x28xf32, #tpu.memory_space<vmem>>) target_semaphore(%arg8 : memref<!tpu.dma_semaphore, #tpu.memory_space<semaphore_mem>>)
        %slice3A_166 = vector.extract_strided_slice %mul3A_133 {offsets = [2], sizes = [1], strides = [1]} : vector<16xi32> to vector<1xi32>
        %squeeze3A_167 = vector.extract %slice3A_166[0] : i32 from vector<1xi32>
        %multiple_of3A_168 = tpu.assume_multiple %squeeze3A_167, 8 : i32
        %dma_start3A_169 = arith.constant 2 : i32
        %dma_start3A_170 = arith.constant 0 : i32
        %dma_start3A_171 = arith.constant 0 : i32
        %dma_start3A_172 = tpu.memref_slice %arg7[%dma_start3A_169, %dma_start3A_170, %dma_start3A_171] : memref<16x8x28xf32, #tpu.memory_space<vmem>> -> memref<1x8x28xf32, #tpu.memory_space<vmem>>
        %dma_start3A_173 = tpu.memref_squeeze %dma_start3A_172 : memref<1x8x28xf32, #tpu.memory_space<vmem>> -> memref<8x28xf32, #tpu.memory_space<vmem>>
        %dma_start3A_174 = arith.constant 0 : i32
        %dma_start3A_175 = tpu.memref_slice %arg3[%select_n3A, %multiple_of3A_168, %dma_start3A_174] : memref<26x100001x28xf32, #tpu.memory_space<hbm>> -> memref<1x8x28xf32, #tpu.memory_space<hbm>>
        %dma_start3A_176 = tpu.memref_squeeze %dma_start3A_175 : memref<1x8x28xf32, #tpu.memory_space<hbm>> -> memref<8x28xf32, #tpu.memory_space<hbm>>
        %dma_start3A_177 = arith.constant 0 : i32
        %dma_start3A_178 = arith.constant 0 : i32
        %dma_start3A_179 = tpu.memref_slice %arg7[%dma_start3A_169, %dma_start3A_177, %dma_start3A_178] : memref<16x8x28xf32, #tpu.memory_space<vmem>> -> memref<1x8x28xf32, #tpu.memory_space<vmem>>
        %dma_start3A_180 = tpu.memref_squeeze %dma_start3A_179 : memref<1x8x28xf32, #tpu.memory_space<vmem>> -> memref<8x28xf32, #tpu.memory_space<vmem>>
        %dma_start3A_181 = arith.constant 0 : i32
        %dma_start3A_182 = tpu.memref_slice %arg3[%select_n3A, %multiple_of3A_168, %dma_start3A_181] : memref<26x100001x28xf32, #tpu.memory_space<hbm>> -> memref<1x8x28xf32, #tpu.memory_space<hbm>>
        %dma_start3A_183 = tpu.memref_squeeze %dma_start3A_182 : memref<1x8x28xf32, #tpu.memory_space<hbm>> -> memref<8x28xf32, #tpu.memory_space<hbm>>
        tpu.enqueue_dma source(%dma_start3A_183 : memref<8x28xf32, #tpu.memory_space<hbm>>) target(%dma_start3A_180 : memref<8x28xf32, #tpu.memory_space<vmem>>) target_semaphore(%arg8 : memref<!tpu.dma_semaphore, #tpu.memory_space<semaphore_mem>>)
        %slice3A_184 = vector.extract_strided_slice %mul3A_133 {offsets = [3], sizes = [1], strides = [1]} : vector<16xi32> to vector<1xi32>
        %squeeze3A_185 = vector.extract %slice3A_184[0] : i32 from vector<1xi32>
        %multiple_of3A_186 = tpu.assume_multiple %squeeze3A_185, 8 : i32
        %dma_start3A_187 = arith.constant 3 : i32
        %dma_start3A_188 = arith.constant 0 : i32
        %dma_start3A_189 = arith.constant 0 : i32
        %dma_start3A_190 = tpu.memref_slice %arg7[%dma_start3A_187, %dma_start3A_188, %dma_start3A_189] : memref<16x8x28xf32, #tpu.memory_space<vmem>> -> memref<1x8x28xf32, #tpu.memory_space<vmem>>
        %dma_start3A_191 = tpu.memref_squeeze %dma_start3A_190 : memref<1x8x28xf32, #tpu.memory_space<vmem>> -> memref<8x28xf32, #tpu.memory_space<vmem>>
        %dma_start3A_192 = arith.constant 0 : i32
        %dma_start3A_193 = tpu.memref_slice %arg3[%select_n3A, %multiple_of3A_186, %dma_start3A_192] : memref<26x100001x28xf32, #tpu.memory_space<hbm>> -> memref<1x8x28xf32, #tpu.memory_space<hbm>>
        %dma_start3A_194 = tpu.memref_squeeze %dma_start3A_193 : memref<1x8x28xf32, #tpu.memory_space<hbm>> -> memref<8x28xf32, #tpu.memory_space<hbm>>
        %dma_start3A_195 = arith.constant 0 : i32
        %dma_start3A_196 = arith.constant 0 : i32
        %dma_start3A_197 = tpu.memref_slice %arg7[%dma_start3A_187, %dma_start3A_195, %dma_start3A_196] : memref<16x8x28xf32, #tpu.memory_space<vmem>> -> memref<1x8x28xf32, #tpu.memory_space<vmem>>
        %dma_start3A_198 = tpu.memref_squeeze %dma_start3A_197 : memref<1x8x28xf32, #tpu.memory_space<vmem>> -> memref<8x28xf32, #tpu.memory_space<vmem>>
        %dma_start3A_199 = arith.constant 0 : i32
        %dma_start3A_200 = tpu.memref_slice %arg3[%select_n3A, %multiple_of3A_186, %dma_start3A_199] : memref<26x100001x28xf32, #tpu.memory_space<hbm>> -> memref<1x8x28xf32, #tpu.memory_space<hbm>>
        %dma_start3A_201 = tpu.memref_squeeze %dma_start3A_200 : memref<1x8x28xf32, #tpu.memory_space<hbm>> -> memref<8x28xf32, #tpu.memory_space<hbm>>
        tpu.enqueue_dma source(%dma_start3A_201 : memref<8x28xf32, #tpu.memory_space<hbm>>) target(%dma_start3A_198 : memref<8x28xf32, #tpu.memory_space<vmem>>) target_semaphore(%arg8 : memref<!tpu.dma_semaphore, #tpu.memory_space<semaphore_mem>>)
        %slice3A_202 = vector.extract_strided_slice %mul3A_133 {offsets = [4], sizes = [1], strides = [1]} : vector<16xi32> to vector<1xi32>
        %squeeze3A_203 = vector.extract %slice3A_202[0] : i32 from vector<1xi32>
        %multiple_of3A_204 = tpu.assume_multiple %squeeze3A_203, 8 : i32
        %dma_start3A_205 = arith.constant 4 : i32
        %dma_start3A_206 = arith.constant 0 : i32
        %dma_start3A_207 = arith.constant 0 : i32
        %dma_start3A_208 = tpu.memref_slice %arg7[%dma_start3A_205, %dma_start3A_206, %dma_start3A_207] : memref<16x8x28xf32, #tpu.memory_space<vmem>> -> memref<1x8x28xf32, #tpu.memory_space<vmem>>
        %dma_start3A_209 = tpu.memref_squeeze %dma_start3A_208 : memref<1x8x28xf32, #tpu.memory_space<vmem>> -> memref<8x28xf32, #tpu.memory_space<vmem>>
        %dma_start3A_210 = arith.constant 0 : i32
        %dma_start3A_211 = tpu.memref_slice %arg3[%select_n3A, %multiple_of3A_204, %dma_start3A_210] : memref<26x100001x28xf32, #tpu.memory_space<hbm>> -> memref<1x8x28xf32, #tpu.memory_space<hbm>>
        %dma_start3A_212 = tpu.memref_squeeze %dma_start3A_211 : memref<1x8x28xf32, #tpu.memory_space<hbm>> -> memref<8x28xf32, #tpu.memory_space<hbm>>
        %dma_start3A_213 = arith.constant 0 : i32
        %dma_start3A_214 = arith.constant 0 : i32
        %dma_start3A_215 = tpu.memref_slice %arg7[%dma_start3A_205, %dma_start3A_213, %dma_start3A_214] : memref<16x8x28xf32, #tpu.memory_space<vmem>> -> memref<1x8x28xf32, #tpu.memory_space<vmem>>
        %dma_start3A_216 = tpu.memref_squeeze %dma_start3A_215 : memref<1x8x28xf32, #tpu.memory_space<vmem>> -> memref<8x28xf32, #tpu.memory_space<vmem>>
        %dma_start3A_217 = arith.constant 0 : i32
        %dma_start3A_218 = tpu.memref_slice %arg3[%select_n3A, %multiple_of3A_204, %dma_start3A_217] : memref<26x100001x28xf32, #tpu.memory_space<hbm>> -> memref<1x8x28xf32, #tpu.memory_space<hbm>>
        %dma_start3A_219 = tpu.memref_squeeze %dma_start3A_218 : memref<1x8x28xf32, #tpu.memory_space<hbm>> -> memref<8x28xf32, #tpu.memory_space<hbm>>
        tpu.enqueue_dma source(%dma_start3A_219 : memref<8x28xf32, #tpu.memory_space<hbm>>) target(%dma_start3A_216 : memref<8x28xf32, #tpu.memory_space<vmem>>) target_semaphore(%arg8 : memref<!tpu.dma_semaphore, #tpu.memory_space<semaphore_mem>>)
        %slice3A_220 = vector.extract_strided_slice %mul3A_133 {offsets = [5], sizes = [1], strides = [1]} : vector<16xi32> to vector<1xi32>
        %squeeze3A_221 = vector.extract %slice3A_220[0] : i32 from vector<1xi32>
        %multiple_of3A_222 = tpu.assume_multiple %squeeze3A_221, 8 : i32
        %dma_start3A_223 = arith.constant 5 : i32
        %dma_start3A_224 = arith.constant 0 : i32
        %dma_start3A_225 = arith.constant 0 : i32
        %dma_start3A_226 = tpu.memref_slice %arg7[%dma_start3A_223, %dma_start3A_224, %dma_start3A_225] : memref<16x8x28xf32, #tpu.memory_space<vmem>> -> memref<1x8x28xf32, #tpu.memory_space<vmem>>
        %dma_start3A_227 = tpu.memref_squeeze %dma_start3A_226 : memref<1x8x28xf32, #tpu.memory_space<vmem>> -> memref<8x28xf32, #tpu.memory_space<vmem>>
        %dma_start3A_228 = arith.constant 0 : i32
        %dma_start3A_229 = tpu.memref_slice %arg3[%select_n3A, %multiple_of3A_222, %dma_start3A_228] : memref<26x100001x28xf32, #tpu.memory_space<hbm>> -> memref<1x8x28xf32, #tpu.memory_space<hbm>>
        %dma_start3A_230 = tpu.memref_squeeze %dma_start3A_229 : memref<1x8x28xf32, #tpu.memory_space<hbm>> -> memref<8x28xf32, #tpu.memory_space<hbm>>
        %dma_start3A_231 = arith.constant 0 : i32
        %dma_start3A_232 = arith.constant 0 : i32
        %dma_start3A_233 = tpu.memref_slice %arg7[%dma_start3A_223, %dma_start3A_231, %dma_start3A_232] : memref<16x8x28xf32, #tpu.memory_space<vmem>> -> memref<1x8x28xf32, #tpu.memory_space<vmem>>
        %dma_start3A_234 = tpu.memref_squeeze %dma_start3A_233 : memref<1x8x28xf32, #tpu.memory_space<vmem>> -> memref<8x28xf32, #tpu.memory_space<vmem>>
        %dma_start3A_235 = arith.constant 0 : i32
        %dma_start3A_236 = tpu.memref_slice %arg3[%select_n3A, %multiple_of3A_222, %dma_start3A_235] : memref<26x100001x28xf32, #tpu.memory_space<hbm>> -> memref<1x8x28xf32, #tpu.memory_space<hbm>>
        %dma_start3A_237 = tpu.memref_squeeze %dma_start3A_236 : memref<1x8x28xf32, #tpu.memory_space<hbm>> -> memref<8x28xf32, #tpu.memory_space<hbm>>
        tpu.enqueue_dma source(%dma_start3A_237 : memref<8x28xf32, #tpu.memory_space<hbm>>) target(%dma_start3A_234 : memref<8x28xf32, #tpu.memory_space<vmem>>) target_semaphore(%arg8 : memref<!tpu.dma_semaphore, #tpu.memory_space<semaphore_mem>>)
        %slice3A_238 = vector.extract_strided_slice %mul3A_133 {offsets = [6], sizes = [1], strides = [1]} : vector<16xi32> to vector<1xi32>
        %squeeze3A_239 = vector.extract %slice3A_238[0] : i32 from vector<1xi32>
        %multiple_of3A_240 = tpu.assume_multiple %squeeze3A_239, 8 : i32
        %dma_start3A_241 = arith.constant 6 : i32
        %dma_start3A_242 = arith.constant 0 : i32
        %dma_start3A_243 = arith.constant 0 : i32
        %dma_start3A_244 = tpu.memref_slice %arg7[%dma_start3A_241, %dma_start3A_242, %dma_start3A_243] : memref<16x8x28xf32, #tpu.memory_space<vmem>> -> memref<1x8x28xf32, #tpu.memory_space<vmem>>
        %dma_start3A_245 = tpu.memref_squeeze %dma_start3A_244 : memref<1x8x28xf32, #tpu.memory_space<vmem>> -> memref<8x28xf32, #tpu.memory_space<vmem>>
        %dma_start3A_246 = arith.constant 0 : i32
        %dma_start3A_247 = tpu.memref_slice %arg3[%select_n3A, %multiple_of3A_240, %dma_start3A_246] : memref<26x100001x28xf32, #tpu.memory_space<hbm>> -> memref<1x8x28xf32, #tpu.memory_space<hbm>>
        %dma_start3A_248 = tpu.memref_squeeze %dma_start3A_247 : memref<1x8x28xf32, #tpu.memory_space<hbm>> -> memref<8x28xf32, #tpu.memory_space<hbm>>
        %dma_start3A_249 = arith.constant 0 : i32
        %dma_start3A_250 = arith.constant 0 : i32
        %dma_start3A_251 = tpu.memref_slice %arg7[%dma_start3A_241, %dma_start3A_249, %dma_start3A_250] : memref<16x8x28xf32, #tpu.memory_space<vmem>> -> memref<1x8x28xf32, #tpu.memory_space<vmem>>
        %dma_start3A_252 = tpu.memref_squeeze %dma_start3A_251 : memref<1x8x28xf32, #tpu.memory_space<vmem>> -> memref<8x28xf32, #tpu.memory_space<vmem>>
        %dma_start3A_253 = arith.constant 0 : i32
        %dma_start3A_254 = tpu.memref_slice %arg3[%select_n3A, %multiple_of3A_240, %dma_start3A_253] : memref<26x100001x28xf32, #tpu.memory_space<hbm>> -> memref<1x8x28xf32, #tpu.memory_space<hbm>>
        %dma_start3A_255 = tpu.memref_squeeze %dma_start3A_254 : memref<1x8x28xf32, #tpu.memory_space<hbm>> -> memref<8x28xf32, #tpu.memory_space<hbm>>
        tpu.enqueue_dma source(%dma_start3A_255 : memref<8x28xf32, #tpu.memory_space<hbm>>) target(%dma_start3A_252 : memref<8x28xf32, #tpu.memory_space<vmem>>) target_semaphore(%arg8 : memref<!tpu.dma_semaphore, #tpu.memory_space<semaphore_mem>>)
        %slice3A_256 = vector.extract_strided_slice %mul3A_133 {offsets = [7], sizes = [1], strides = [1]} : vector<16xi32> to vector<1xi32>
        %squeeze3A_257 = vector.extract %slice3A_256[0] : i32 from vector<1xi32>
        %multiple_of3A_258 = tpu.assume_multiple %squeeze3A_257, 8 : i32
        %dma_start3A_259 = arith.constant 7 : i32
        %dma_start3A_260 = arith.constant 0 : i32
        %dma_start3A_261 = arith.constant 0 : i32
        %dma_start3A_262 = tpu.memref_slice %arg7[%dma_start3A_259, %dma_start3A_260, %dma_start3A_261] : memref<16x8x28xf32, #tpu.memory_space<vmem>> -> memref<1x8x28xf32, #tpu.memory_space<vmem>>
        %dma_start3A_263 = tpu.memref_squeeze %dma_start3A_262 : memref<1x8x28xf32, #tpu.memory_space<vmem>> -> memref<8x28xf32, #tpu.memory_space<vmem>>
        %dma_start3A_264 = arith.constant 0 : i32
        %dma_start3A_265 = tpu.memref_slice %arg3[%select_n3A, %multiple_of3A_258, %dma_start3A_264] : memref<26x100001x28xf32, #tpu.memory_space<hbm>> -> memref<1x8x28xf32, #tpu.memory_space<hbm>>
        %dma_start3A_266 = tpu.memref_squeeze %dma_start3A_265 : memref<1x8x28xf32, #tpu.memory_space<hbm>> -> memref<8x28xf32, #tpu.memory_space<hbm>>
        %dma_start3A_267 = arith.constant 0 : i32
        %dma_start3A_268 = arith.constant 0 : i32
        %dma_start3A_269 = tpu.memref_slice %arg7[%dma_start3A_259, %dma_start3A_267, %dma_start3A_268] : memref<16x8x28xf32, #tpu.memory_space<vmem>> -> memref<1x8x28xf32, #tpu.memory_space<vmem>>
        %dma_start3A_270 = tpu.memref_squeeze %dma_start3A_269 : memref<1x8x28xf32, #tpu.memory_space<vmem>> -> memref<8x28xf32, #tpu.memory_space<vmem>>
        %dma_start3A_271 = arith.constant 0 : i32
        %dma_start3A_272 = tpu.memref_slice %arg3[%select_n3A, %multiple_of3A_258, %dma_start3A_271] : memref<26x100001x28xf32, #tpu.memory_space<hbm>> -> memref<1x8x28xf32, #tpu.memory_space<hbm>>
        %dma_start3A_273 = tpu.memref_squeeze %dma_start3A_272 : memref<1x8x28xf32, #tpu.memory_space<hbm>> -> memref<8x28xf32, #tpu.memory_space<hbm>>
        tpu.enqueue_dma source(%dma_start3A_273 : memref<8x28xf32, #tpu.memory_space<hbm>>) target(%dma_start3A_270 : memref<8x28xf32, #tpu.memory_space<vmem>>) target_semaphore(%arg8 : memref<!tpu.dma_semaphore, #tpu.memory_space<semaphore_mem>>)
        %slice3A_274 = vector.extract_strided_slice %mul3A_133 {offsets = [8], sizes = [1], strides = [1]} : vector<16xi32> to vector<1xi32>
        %squeeze3A_275 = vector.extract %slice3A_274[0] : i32 from vector<1xi32>
        %multiple_of3A_276 = tpu.assume_multiple %squeeze3A_275, 8 : i32
        %dma_start3A_277 = arith.constant 8 : i32
        %dma_start3A_278 = arith.constant 0 : i32
        %dma_start3A_279 = arith.constant 0 : i32
        %dma_start3A_280 = tpu.memref_slice %arg7[%dma_start3A_277, %dma_start3A_278, %dma_start3A_279] : memref<16x8x28xf32, #tpu.memory_space<vmem>> -> memref<1x8x28xf32, #tpu.memory_space<vmem>>
        %dma_start3A_281 = tpu.memref_squeeze %dma_start3A_280 : memref<1x8x28xf32, #tpu.memory_space<vmem>> -> memref<8x28xf32, #tpu.memory_space<vmem>>
        %dma_start3A_282 = arith.constant 0 : i32
        %dma_start3A_283 = tpu.memref_slice %arg3[%select_n3A, %multiple_of3A_276, %dma_start3A_282] : memref<26x100001x28xf32, #tpu.memory_space<hbm>> -> memref<1x8x28xf32, #tpu.memory_space<hbm>>
        %dma_start3A_284 = tpu.memref_squeeze %dma_start3A_283 : memref<1x8x28xf32, #tpu.memory_space<hbm>> -> memref<8x28xf32, #tpu.memory_space<hbm>>
        %dma_start3A_285 = arith.constant 0 : i32
        %dma_start3A_286 = arith.constant 0 : i32
        %dma_start3A_287 = tpu.memref_slice %arg7[%dma_start3A_277, %dma_start3A_285, %dma_start3A_286] : memref<16x8x28xf32, #tpu.memory_space<vmem>> -> memref<1x8x28xf32, #tpu.memory_space<vmem>>
        %dma_start3A_288 = tpu.memref_squeeze %dma_start3A_287 : memref<1x8x28xf32, #tpu.memory_space<vmem>> -> memref<8x28xf32, #tpu.memory_space<vmem>>
        %dma_start3A_289 = arith.constant 0 : i32
        %dma_start3A_290 = tpu.memref_slice %arg3[%select_n3A, %multiple_of3A_276, %dma_start3A_289] : memref<26x100001x28xf32, #tpu.memory_space<hbm>> -> memref<1x8x28xf32, #tpu.memory_space<hbm>>
        %dma_start3A_291 = tpu.memref_squeeze %dma_start3A_290 : memref<1x8x28xf32, #tpu.memory_space<hbm>> -> memref<8x28xf32, #tpu.memory_space<hbm>>
        tpu.enqueue_dma source(%dma_start3A_291 : memref<8x28xf32, #tpu.memory_space<hbm>>) target(%dma_start3A_288 : memref<8x28xf32, #tpu.memory_space<vmem>>) target_semaphore(%arg8 : memref<!tpu.dma_semaphore, #tpu.memory_space<semaphore_mem>>)
        %slice3A_292 = vector.extract_strided_slice %mul3A_133 {offsets = [9], sizes = [1], strides = [1]} : vector<16xi32> to vector<1xi32>
        %squeeze3A_293 = vector.extract %slice3A_292[0] : i32 from vector<1xi32>
        %multiple_of3A_294 = tpu.assume_multiple %squeeze3A_293, 8 : i32
        %dma_start3A_295 = arith.constant 9 : i32
        %dma_start3A_296 = arith.constant 0 : i32
        %dma_start3A_297 = arith.constant 0 : i32
        %dma_start3A_298 = tpu.memref_slice %arg7[%dma_start3A_295, %dma_start3A_296, %dma_start3A_297] : memref<16x8x28xf32, #tpu.memory_space<vmem>> -> memref<1x8x28xf32, #tpu.memory_space<vmem>>
        %dma_start3A_299 = tpu.memref_squeeze %dma_start3A_298 : memref<1x8x28xf32, #tpu.memory_space<vmem>> -> memref<8x28xf32, #tpu.memory_space<vmem>>
        %dma_start3A_300 = arith.constant 0 : i32
        %dma_start3A_301 = tpu.memref_slice %arg3[%select_n3A, %multiple_of3A_294, %dma_start3A_300] : memref<26x100001x28xf32, #tpu.memory_space<hbm>> -> memref<1x8x28xf32, #tpu.memory_space<hbm>>
        %dma_start3A_302 = tpu.memref_squeeze %dma_start3A_301 : memref<1x8x28xf32, #tpu.memory_space<hbm>> -> memref<8x28xf32, #tpu.memory_space<hbm>>
        %dma_start3A_303 = arith.constant 0 : i32
        %dma_start3A_304 = arith.constant 0 : i32
        %dma_start3A_305 = tpu.memref_slice %arg7[%dma_start3A_295, %dma_start3A_303, %dma_start3A_304] : memref<16x8x28xf32, #tpu.memory_space<vmem>> -> memref<1x8x28xf32, #tpu.memory_space<vmem>>
        %dma_start3A_306 = tpu.memref_squeeze %dma_start3A_305 : memref<1x8x28xf32, #tpu.memory_space<vmem>> -> memref<8x28xf32, #tpu.memory_space<vmem>>
        %dma_start3A_307 = arith.constant 0 : i32
        %dma_start3A_308 = tpu.memref_slice %arg3[%select_n3A, %multiple_of3A_294, %dma_start3A_307] : memref<26x100001x28xf32, #tpu.memory_space<hbm>> -> memref<1x8x28xf32, #tpu.memory_space<hbm>>
        %dma_start3A_309 = tpu.memref_squeeze %dma_start3A_308 : memref<1x8x28xf32, #tpu.memory_space<hbm>> -> memref<8x28xf32, #tpu.memory_space<hbm>>
        tpu.enqueue_dma source(%dma_start3A_309 : memref<8x28xf32, #tpu.memory_space<hbm>>) target(%dma_start3A_306 : memref<8x28xf32, #tpu.memory_space<vmem>>) target_semaphore(%arg8 : memref<!tpu.dma_semaphore, #tpu.memory_space<semaphore_mem>>)
        %slice3A_310 = vector.extract_strided_slice %mul3A_133 {offsets = [10], sizes = [1], strides = [1]} : vector<16xi32> to vector<1xi32>
        %squeeze3A_311 = vector.extract %slice3A_310[0] : i32 from vector<1xi32>
        %multiple_of3A_312 = tpu.assume_multiple %squeeze3A_311, 8 : i32
        %dma_start3A_313 = arith.constant 10 : i32
        %dma_start3A_314 = arith.constant 0 : i32
        %dma_start3A_315 = arith.constant 0 : i32
        %dma_start3A_316 = tpu.memref_slice %arg7[%dma_start3A_313, %dma_start3A_314, %dma_start3A_315] : memref<16x8x28xf32, #tpu.memory_space<vmem>> -> memref<1x8x28xf32, #tpu.memory_space<vmem>>
        %dma_start3A_317 = tpu.memref_squeeze %dma_start3A_316 : memref<1x8x28xf32, #tpu.memory_space<vmem>> -> memref<8x28xf32, #tpu.memory_space<vmem>>
        %dma_start3A_318 = arith.constant 0 : i32
        %dma_start3A_319 = tpu.memref_slice %arg3[%select_n3A, %multiple_of3A_312, %dma_start3A_318] : memref<26x100001x28xf32, #tpu.memory_space<hbm>> -> memref<1x8x28xf32, #tpu.memory_space<hbm>>
        %dma_start3A_320 = tpu.memref_squeeze %dma_start3A_319 : memref<1x8x28xf32, #tpu.memory_space<hbm>> -> memref<8x28xf32, #tpu.memory_space<hbm>>
        %dma_start3A_321 = arith.constant 0 : i32
        %dma_start3A_322 = arith.constant 0 : i32
        %dma_start3A_323 = tpu.memref_slice %arg7[%dma_start3A_313, %dma_start3A_321, %dma_start3A_322] : memref<16x8x28xf32, #tpu.memory_space<vmem>> -> memref<1x8x28xf32, #tpu.memory_space<vmem>>
        %dma_start3A_324 = tpu.memref_squeeze %dma_start3A_323 : memref<1x8x28xf32, #tpu.memory_space<vmem>> -> memref<8x28xf32, #tpu.memory_space<vmem>>
        %dma_start3A_325 = arith.constant 0 : i32
        %dma_start3A_326 = tpu.memref_slice %arg3[%select_n3A, %multiple_of3A_312, %dma_start3A_325] : memref<26x100001x28xf32, #tpu.memory_space<hbm>> -> memref<1x8x28xf32, #tpu.memory_space<hbm>>
        %dma_start3A_327 = tpu.memref_squeeze %dma_start3A_326 : memref<1x8x28xf32, #tpu.memory_space<hbm>> -> memref<8x28xf32, #tpu.memory_space<hbm>>
        tpu.enqueue_dma source(%dma_start3A_327 : memref<8x28xf32, #tpu.memory_space<hbm>>) target(%dma_start3A_324 : memref<8x28xf32, #tpu.memory_space<vmem>>) target_semaphore(%arg8 : memref<!tpu.dma_semaphore, #tpu.memory_space<semaphore_mem>>)
        %slice3A_328 = vector.extract_strided_slice %mul3A_133 {offsets = [11], sizes = [1], strides = [1]} : vector<16xi32> to vector<1xi32>
        %squeeze3A_329 = vector.extract %slice3A_328[0] : i32 from vector<1xi32>
        %multiple_of3A_330 = tpu.assume_multiple %squeeze3A_329, 8 : i32
        %dma_start3A_331 = arith.constant 11 : i32
        %dma_start3A_332 = arith.constant 0 : i32
        %dma_start3A_333 = arith.constant 0 : i32
        %dma_start3A_334 = tpu.memref_slice %arg7[%dma_start3A_331, %dma_start3A_332, %dma_start3A_333] : memref<16x8x28xf32, #tpu.memory_space<vmem>> -> memref<1x8x28xf32, #tpu.memory_space<vmem>>
        %dma_start3A_335 = tpu.memref_squeeze %dma_start3A_334 : memref<1x8x28xf32, #tpu.memory_space<vmem>> -> memref<8x28xf32, #tpu.memory_space<vmem>>
        %dma_start3A_336 = arith.constant 0 : i32
        %dma_start3A_337 = tpu.memref_slice %arg3[%select_n3A, %multiple_of3A_330, %dma_start3A_336] : memref<26x100001x28xf32, #tpu.memory_space<hbm>> -> memref<1x8x28xf32, #tpu.memory_space<hbm>>
        %dma_start3A_338 = tpu.memref_squeeze %dma_start3A_337 : memref<1x8x28xf32, #tpu.memory_space<hbm>> -> memref<8x28xf32, #tpu.memory_space<hbm>>
        %dma_start3A_339 = arith.constant 0 : i32
        %dma_start3A_340 = arith.constant 0 : i32
        %dma_start3A_341 = tpu.memref_slice %arg7[%dma_start3A_331, %dma_start3A_339, %dma_start3A_340] : memref<16x8x28xf32, #tpu.memory_space<vmem>> -> memref<1x8x28xf32, #tpu.memory_space<vmem>>
        %dma_start3A_342 = tpu.memref_squeeze %dma_start3A_341 : memref<1x8x28xf32, #tpu.memory_space<vmem>> -> memref<8x28xf32, #tpu.memory_space<vmem>>
        %dma_start3A_343 = arith.constant 0 : i32
        %dma_start3A_344 = tpu.memref_slice %arg3[%select_n3A, %multiple_of3A_330, %dma_start3A_343] : memref<26x100001x28xf32, #tpu.memory_space<hbm>> -> memref<1x8x28xf32, #tpu.memory_space<hbm>>
        %dma_start3A_345 = tpu.memref_squeeze %dma_start3A_344 : memref<1x8x28xf32, #tpu.memory_space<hbm>> -> memref<8x28xf32, #tpu.memory_space<hbm>>
        tpu.enqueue_dma source(%dma_start3A_345 : memref<8x28xf32, #tpu.memory_space<hbm>>) target(%dma_start3A_342 : memref<8x28xf32, #tpu.memory_space<vmem>>) target_semaphore(%arg8 : memref<!tpu.dma_semaphore, #tpu.memory_space<semaphore_mem>>)
        %slice3A_346 = vector.extract_strided_slice %mul3A_133 {offsets = [12], sizes = [1], strides = [1]} : vector<16xi32> to vector<1xi32>
        %squeeze3A_347 = vector.extract %slice3A_346[0] : i32 from vector<1xi32>
        %multiple_of3A_348 = tpu.assume_multiple %squeeze3A_347, 8 : i32
        %dma_start3A_349 = arith.constant 12 : i32
        %dma_start3A_350 = arith.constant 0 : i32
        %dma_start3A_351 = arith.constant 0 : i32
        %dma_start3A_352 = tpu.memref_slice %arg7[%dma_start3A_349, %dma_start3A_350, %dma_start3A_351] : memref<16x8x28xf32, #tpu.memory_space<vmem>> -> memref<1x8x28xf32, #tpu.memory_space<vmem>>
        %dma_start3A_353 = tpu.memref_squeeze %dma_start3A_352 : memref<1x8x28xf32, #tpu.memory_space<vmem>> -> memref<8x28xf32, #tpu.memory_space<vmem>>
        %dma_start3A_354 = arith.constant 0 : i32
        %dma_start3A_355 = tpu.memref_slice %arg3[%select_n3A, %multiple_of3A_348, %dma_start3A_354] : memref<26x100001x28xf32, #tpu.memory_space<hbm>> -> memref<1x8x28xf32, #tpu.memory_space<hbm>>
        %dma_start3A_356 = tpu.memref_squeeze %dma_start3A_355 : memref<1x8x28xf32, #tpu.memory_space<hbm>> -> memref<8x28xf32, #tpu.memory_space<hbm>>
        %dma_start3A_357 = arith.constant 0 : i32
        %dma_start3A_358 = arith.constant 0 : i32
        %dma_start3A_359 = tpu.memref_slice %arg7[%dma_start3A_349, %dma_start3A_357, %dma_start3A_358] : memref<16x8x28xf32, #tpu.memory_space<vmem>> -> memref<1x8x28xf32, #tpu.memory_space<vmem>>
        %dma_start3A_360 = tpu.memref_squeeze %dma_start3A_359 : memref<1x8x28xf32, #tpu.memory_space<vmem>> -> memref<8x28xf32, #tpu.memory_space<vmem>>
        %dma_start3A_361 = arith.constant 0 : i32
        %dma_start3A_362 = tpu.memref_slice %arg3[%select_n3A, %multiple_of3A_348, %dma_start3A_361] : memref<26x100001x28xf32, #tpu.memory_space<hbm>> -> memref<1x8x28xf32, #tpu.memory_space<hbm>>
        %dma_start3A_363 = tpu.memref_squeeze %dma_start3A_362 : memref<1x8x28xf32, #tpu.memory_space<hbm>> -> memref<8x28xf32, #tpu.memory_space<hbm>>
        tpu.enqueue_dma source(%dma_start3A_363 : memref<8x28xf32, #tpu.memory_space<hbm>>) target(%dma_start3A_360 : memref<8x28xf32, #tpu.memory_space<vmem>>) target_semaphore(%arg8 : memref<!tpu.dma_semaphore, #tpu.memory_space<semaphore_mem>>)
        %slice3A_364 = vector.extract_strided_slice %mul3A_133 {offsets = [13], sizes = [1], strides = [1]} : vector<16xi32> to vector<1xi32>
        %squeeze3A_365 = vector.extract %slice3A_364[0] : i32 from vector<1xi32>
        %multiple_of3A_366 = tpu.assume_multiple %squeeze3A_365, 8 : i32
        %dma_start3A_367 = arith.constant 13 : i32
        %dma_start3A_368 = arith.constant 0 : i32
        %dma_start3A_369 = arith.constant 0 : i32
        %dma_start3A_370 = tpu.memref_slice %arg7[%dma_start3A_367, %dma_start3A_368, %dma_start3A_369] : memref<16x8x28xf32, #tpu.memory_space<vmem>> -> memref<1x8x28xf32, #tpu.memory_space<vmem>>
        %dma_start3A_371 = tpu.memref_squeeze %dma_start3A_370 : memref<1x8x28xf32, #tpu.memory_space<vmem>> -> memref<8x28xf32, #tpu.memory_space<vmem>>
        %dma_start3A_372 = arith.constant 0 : i32
        %dma_start3A_373 = tpu.memref_slice %arg3[%select_n3A, %multiple_of3A_366, %dma_start3A_372] : memref<26x100001x28xf32, #tpu.memory_space<hbm>> -> memref<1x8x28xf32, #tpu.memory_space<hbm>>
        %dma_start3A_374 = tpu.memref_squeeze %dma_start3A_373 : memref<1x8x28xf32, #tpu.memory_space<hbm>> -> memref<8x28xf32, #tpu.memory_space<hbm>>
        %dma_start3A_375 = arith.constant 0 : i32
        %dma_start3A_376 = arith.constant 0 : i32
        %dma_start3A_377 = tpu.memref_slice %arg7[%dma_start3A_367, %dma_start3A_375, %dma_start3A_376] : memref<16x8x28xf32, #tpu.memory_space<vmem>> -> memref<1x8x28xf32, #tpu.memory_space<vmem>>
        %dma_start3A_378 = tpu.memref_squeeze %dma_start3A_377 : memref<1x8x28xf32, #tpu.memory_space<vmem>> -> memref<8x28xf32, #tpu.memory_space<vmem>>
        %dma_start3A_379 = arith.constant 0 : i32
        %dma_start3A_380 = tpu.memref_slice %arg3[%select_n3A, %multiple_of3A_366, %dma_start3A_379] : memref<26x100001x28xf32, #tpu.memory_space<hbm>> -> memref<1x8x28xf32, #tpu.memory_space<hbm>>
        %dma_start3A_381 = tpu.memref_squeeze %dma_start3A_380 : memref<1x8x28xf32, #tpu.memory_space<hbm>> -> memref<8x28xf32, #tpu.memory_space<hbm>>
        tpu.enqueue_dma source(%dma_start3A_381 : memref<8x28xf32, #tpu.memory_space<hbm>>) target(%dma_start3A_378 : memref<8x28xf32, #tpu.memory_space<vmem>>) target_semaphore(%arg8 : memref<!tpu.dma_semaphore, #tpu.memory_space<semaphore_mem>>)
        %slice3A_382 = vector.extract_strided_slice %mul3A_133 {offsets = [14], sizes = [1], strides = [1]} : vector<16xi32> to vector<1xi32>
        %squeeze3A_383 = vector.extract %slice3A_382[0] : i32 from vector<1xi32>
        %multiple_of3A_384 = tpu.assume_multiple %squeeze3A_383, 8 : i32
        %dma_start3A_385 = arith.constant 14 : i32
        %dma_start3A_386 = arith.constant 0 : i32
        %dma_start3A_387 = arith.constant 0 : i32
        %dma_start3A_388 = tpu.memref_slice %arg7[%dma_start3A_385, %dma_start3A_386, %dma_start3A_387] : memref<16x8x28xf32, #tpu.memory_space<vmem>> -> memref<1x8x28xf32, #tpu.memory_space<vmem>>
        %dma_start3A_389 = tpu.memref_squeeze %dma_start3A_388 : memref<1x8x28xf32, #tpu.memory_space<vmem>> -> memref<8x28xf32, #tpu.memory_space<vmem>>
        %dma_start3A_390 = arith.constant 0 : i32
        %dma_start3A_391 = tpu.memref_slice %arg3[%select_n3A, %multiple_of3A_384, %dma_start3A_390] : memref<26x100001x28xf32, #tpu.memory_space<hbm>> -> memref<1x8x28xf32, #tpu.memory_space<hbm>>
        %dma_start3A_392 = tpu.memref_squeeze %dma_start3A_391 : memref<1x8x28xf32, #tpu.memory_space<hbm>> -> memref<8x28xf32, #tpu.memory_space<hbm>>
        %dma_start3A_393 = arith.constant 0 : i32
        %dma_start3A_394 = arith.constant 0 : i32
        %dma_start3A_395 = tpu.memref_slice %arg7[%dma_start3A_385, %dma_start3A_393, %dma_start3A_394] : memref<16x8x28xf32, #tpu.memory_space<vmem>> -> memref<1x8x28xf32, #tpu.memory_space<vmem>>
        %dma_start3A_396 = tpu.memref_squeeze %dma_start3A_395 : memref<1x8x28xf32, #tpu.memory_space<vmem>> -> memref<8x28xf32, #tpu.memory_space<vmem>>
        %dma_start3A_397 = arith.constant 0 : i32
        %dma_start3A_398 = tpu.memref_slice %arg3[%select_n3A, %multiple_of3A_384, %dma_start3A_397] : memref<26x100001x28xf32, #tpu.memory_space<hbm>> -> memref<1x8x28xf32, #tpu.memory_space<hbm>>
        %dma_start3A_399 = tpu.memref_squeeze %dma_start3A_398 : memref<1x8x28xf32, #tpu.memory_space<hbm>> -> memref<8x28xf32, #tpu.memory_space<hbm>>
        tpu.enqueue_dma source(%dma_start3A_399 : memref<8x28xf32, #tpu.memory_space<hbm>>) target(%dma_start3A_396 : memref<8x28xf32, #tpu.memory_space<vmem>>) target_semaphore(%arg8 : memref<!tpu.dma_semaphore, #tpu.memory_space<semaphore_mem>>)
        %slice3A_400 = vector.extract_strided_slice %mul3A_133 {offsets = [15], sizes = [1], strides = [1]} : vector<16xi32> to vector<1xi32>
        %squeeze3A_401 = vector.extract %slice3A_400[0] : i32 from vector<1xi32>
        %multiple_of3A_402 = tpu.assume_multiple %squeeze3A_401, 8 : i32
        %dma_start3A_403 = arith.constant 15 : i32
        %dma_start3A_404 = arith.constant 0 : i32
        %dma_start3A_405 = arith.constant 0 : i32
        %dma_start3A_406 = tpu.memref_slice %arg7[%dma_start3A_403, %dma_start3A_404, %dma_start3A_405] : memref<16x8x28xf32, #tpu.memory_space<vmem>> -> memref<1x8x28xf32, #tpu.memory_space<vmem>>
        %dma_start3A_407 = tpu.memref_squeeze %dma_start3A_406 : memref<1x8x28xf32, #tpu.memory_space<vmem>> -> memref<8x28xf32, #tpu.memory_space<vmem>>
        %dma_start3A_408 = arith.constant 0 : i32
        %dma_start3A_409 = tpu.memref_slice %arg3[%select_n3A, %multiple_of3A_402, %dma_start3A_408] : memref<26x100001x28xf32, #tpu.memory_space<hbm>> -> memref<1x8x28xf32, #tpu.memory_space<hbm>>
        %dma_start3A_410 = tpu.memref_squeeze %dma_start3A_409 : memref<1x8x28xf32, #tpu.memory_space<hbm>> -> memref<8x28xf32, #tpu.memory_space<hbm>>
        %dma_start3A_411 = arith.constant 0 : i32
        %dma_start3A_412 = arith.constant 0 : i32
        %dma_start3A_413 = tpu.memref_slice %arg7[%dma_start3A_403, %dma_start3A_411, %dma_start3A_412] : memref<16x8x28xf32, #tpu.memory_space<vmem>> -> memref<1x8x28xf32, #tpu.memory_space<vmem>>
        %dma_start3A_414 = tpu.memref_squeeze %dma_start3A_413 : memref<1x8x28xf32, #tpu.memory_space<vmem>> -> memref<8x28xf32, #tpu.memory_space<vmem>>
        %dma_start3A_415 = arith.constant 0 : i32
        %dma_start3A_416 = tpu.memref_slice %arg3[%select_n3A, %multiple_of3A_402, %dma_start3A_415] : memref<26x100001x28xf32, #tpu.memory_space<hbm>> -> memref<1x8x28xf32, #tpu.memory_space<hbm>>
        %dma_start3A_417 = tpu.memref_squeeze %dma_start3A_416 : memref<1x8x28xf32, #tpu.memory_space<hbm>> -> memref<8x28xf32, #tpu.memory_space<hbm>>
        tpu.enqueue_dma source(%dma_start3A_417 : memref<8x28xf32, #tpu.memory_space<hbm>>) target(%dma_start3A_414 : memref<8x28xf32, #tpu.memory_space<vmem>>) target_semaphore(%arg8 : memref<!tpu.dma_semaphore, #tpu.memory_space<semaphore_mem>>)
        %dma_wait3A = arith.constant 0 : i32
        %dma_wait3A_418 = arith.constant 0 : i32
        %dma_wait3A_419 = arith.constant 0 : i32
        %dma_wait3A_420 = tpu.memref_slice %arg7[%dma_wait3A, %dma_wait3A_418, %dma_wait3A_419] : memref<16x8x28xf32, #tpu.memory_space<vmem>> -> memref<1x8x28xf32, #tpu.memory_space<vmem>>
        %dma_wait3A_421 = tpu.memref_squeeze %dma_wait3A_420 : memref<1x8x28xf32, #tpu.memory_space<vmem>> -> memref<8x28xf32, #tpu.memory_space<vmem>>
        %dma_wait3A_422 = arith.constant 0 : i32
        %dma_wait3A_423 = tpu.memref_slice %arg3[%select_n3A, %multiple_of3A, %dma_wait3A_422] : memref<26x100001x28xf32, #tpu.memory_space<hbm>> -> memref<1x8x28xf32, #tpu.memory_space<hbm>>
        %dma_wait3A_424 = tpu.memref_squeeze %dma_wait3A_423 : memref<1x8x28xf32, #tpu.memory_space<hbm>> -> memref<8x28xf32, #tpu.memory_space<hbm>>
        %dma_wait3A_425 = arith.constant 0 : i32
        %dma_wait3A_426 = arith.constant 0 : i32
        %dma_wait3A_427 = tpu.memref_slice %arg7[%dma_wait3A, %dma_wait3A_425, %dma_wait3A_426] : memref<16x8x28xf32, #tpu.memory_space<vmem>> -> memref<1x8x28xf32, #tpu.memory_space<vmem>>
        %dma_wait3A_428 = tpu.memref_squeeze %dma_wait3A_427 : memref<1x8x28xf32, #tpu.memory_space<vmem>> -> memref<8x28xf32, #tpu.memory_space<vmem>>
        %dma_wait3A_429 = arith.constant 0 : i32
        %dma_wait3A_430 = tpu.memref_slice %arg3[%select_n3A, %multiple_of3A, %dma_wait3A_429] : memref<26x100001x28xf32, #tpu.memory_space<hbm>> -> memref<1x8x28xf32, #tpu.memory_space<hbm>>
        %dma_wait3A_431 = tpu.memref_squeeze %dma_wait3A_430 : memref<1x8x28xf32, #tpu.memory_space<hbm>> -> memref<8x28xf32, #tpu.memory_space<hbm>>
        tpu.wait_dma2 semaphore(%arg8 : memref<!tpu.dma_semaphore, #tpu.memory_space<semaphore_mem>>) src(%dma_wait3A_431 : memref<8x28xf32, #tpu.memory_space<hbm>>) dst(%dma_wait3A_428 : memref<8x28xf32, #tpu.memory_space<vmem>>)
        %dma_wait3A_432 = arith.constant 1 : i32
        %dma_wait3A_433 = arith.constant 0 : i32
        %dma_wait3A_434 = arith.constant 0 : i32
        %dma_wait3A_435 = tpu.memref_slice %arg7[%dma_wait3A_432, %dma_wait3A_433, %dma_wait3A_434] : memref<16x8x28xf32, #tpu.memory_space<vmem>> -> memref<1x8x28xf32, #tpu.memory_space<vmem>>
        %dma_wait3A_436 = tpu.memref_squeeze %dma_wait3A_435 : memref<1x8x28xf32, #tpu.memory_space<vmem>> -> memref<8x28xf32, #tpu.memory_space<vmem>>
        %dma_wait3A_437 = arith.constant 0 : i32
        %dma_wait3A_438 = tpu.memref_slice %arg3[%select_n3A, %multiple_of3A_150, %dma_wait3A_437] : memref<26x100001x28xf32, #tpu.memory_space<hbm>> -> memref<1x8x28xf32, #tpu.memory_space<hbm>>
        %dma_wait3A_439 = tpu.memref_squeeze %dma_wait3A_438 : memref<1x8x28xf32, #tpu.memory_space<hbm>> -> memref<8x28xf32, #tpu.memory_space<hbm>>
        %dma_wait3A_440 = arith.constant 0 : i32
        %dma_wait3A_441 = arith.constant 0 : i32
        %dma_wait3A_442 = tpu.memref_slice %arg7[%dma_wait3A_432, %dma_wait3A_440, %dma_wait3A_441] : memref<16x8x28xf32, #tpu.memory_space<vmem>> -> memref<1x8x28xf32, #tpu.memory_space<vmem>>
        %dma_wait3A_443 = tpu.memref_squeeze %dma_wait3A_442 : memref<1x8x28xf32, #tpu.memory_space<vmem>> -> memref<8x28xf32, #tpu.memory_space<vmem>>
        %dma_wait3A_444 = arith.constant 0 : i32
        %dma_wait3A_445 = tpu.memref_slice %arg3[%select_n3A, %multiple_of3A_150, %dma_wait3A_444] : memref<26x100001x28xf32, #tpu.memory_space<hbm>> -> memref<1x8x28xf32, #tpu.memory_space<hbm>>
        %dma_wait3A_446 = tpu.memref_squeeze %dma_wait3A_445 : memref<1x8x28xf32, #tpu.memory_space<hbm>> -> memref<8x28xf32, #tpu.memory_space<hbm>>
        tpu.wait_dma2 semaphore(%arg8 : memref<!tpu.dma_semaphore, #tpu.memory_space<semaphore_mem>>) src(%dma_wait3A_446 : memref<8x28xf32, #tpu.memory_space<hbm>>) dst(%dma_wait3A_443 : memref<8x28xf32, #tpu.memory_space<vmem>>)
        %dma_wait3A_447 = arith.constant 2 : i32
        %dma_wait3A_448 = arith.constant 0 : i32
        %dma_wait3A_449 = arith.constant 0 : i32
        %dma_wait3A_450 = tpu.memref_slice %arg7[%dma_wait3A_447, %dma_wait3A_448, %dma_wait3A_449] : memref<16x8x28xf32, #tpu.memory_space<vmem>> -> memref<1x8x28xf32, #tpu.memory_space<vmem>>
        %dma_wait3A_451 = tpu.memref_squeeze %dma_wait3A_450 : memref<1x8x28xf32, #tpu.memory_space<vmem>> -> memref<8x28xf32, #tpu.memory_space<vmem>>
        %dma_wait3A_452 = arith.constant 0 : i32
        %dma_wait3A_453 = tpu.memref_slice %arg3[%select_n3A, %multiple_of3A_168, %dma_wait3A_452] : memref<26x100001x28xf32, #tpu.memory_space<hbm>> -> memref<1x8x28xf32, #tpu.memory_space<hbm>>
        %dma_wait3A_454 = tpu.memref_squeeze %dma_wait3A_453 : memref<1x8x28xf32, #tpu.memory_space<hbm>> -> memref<8x28xf32, #tpu.memory_space<hbm>>
        %dma_wait3A_455 = arith.constant 0 : i32
        %dma_wait3A_456 = arith.constant 0 : i32
        %dma_wait3A_457 = tpu.memref_slice %arg7[%dma_wait3A_447, %dma_wait3A_455, %dma_wait3A_456] : memref<16x8x28xf32, #tpu.memory_space<vmem>> -> memref<1x8x28xf32, #tpu.memory_space<vmem>>
        %dma_wait3A_458 = tpu.memref_squeeze %dma_wait3A_457 : memref<1x8x28xf32, #tpu.memory_space<vmem>> -> memref<8x28xf32, #tpu.memory_space<vmem>>
        %dma_wait3A_459 = arith.constant 0 : i32
        %dma_wait3A_460 = tpu.memref_slice %arg3[%select_n3A, %multiple_of3A_168, %dma_wait3A_459] : memref<26x100001x28xf32, #tpu.memory_space<hbm>> -> memref<1x8x28xf32, #tpu.memory_space<hbm>>
        %dma_wait3A_461 = tpu.memref_squeeze %dma_wait3A_460 : memref<1x8x28xf32, #tpu.memory_space<hbm>> -> memref<8x28xf32, #tpu.memory_space<hbm>>
        tpu.wait_dma2 semaphore(%arg8 : memref<!tpu.dma_semaphore, #tpu.memory_space<semaphore_mem>>) src(%dma_wait3A_461 : memref<8x28xf32, #tpu.memory_space<hbm>>) dst(%dma_wait3A_458 : memref<8x28xf32, #tpu.memory_space<vmem>>)
        %dma_wait3A_462 = arith.constant 3 : i32
        %dma_wait3A_463 = arith.constant 0 : i32
        %dma_wait3A_464 = arith.constant 0 : i32
        %dma_wait3A_465 = tpu.memref_slice %arg7[%dma_wait3A_462, %dma_wait3A_463, %dma_wait3A_464] : memref<16x8x28xf32, #tpu.memory_space<vmem>> -> memref<1x8x28xf32, #tpu.memory_space<vmem>>
        %dma_wait3A_466 = tpu.memref_squeeze %dma_wait3A_465 : memref<1x8x28xf32, #tpu.memory_space<vmem>> -> memref<8x28xf32, #tpu.memory_space<vmem>>
        %dma_wait3A_467 = arith.constant 0 : i32
        %dma_wait3A_468 = tpu.memref_slice %arg3[%select_n3A, %multiple_of3A_186, %dma_wait3A_467] : memref<26x100001x28xf32, #tpu.memory_space<hbm>> -> memref<1x8x28xf32, #tpu.memory_space<hbm>>
        %dma_wait3A_469 = tpu.memref_squeeze %dma_wait3A_468 : memref<1x8x28xf32, #tpu.memory_space<hbm>> -> memref<8x28xf32, #tpu.memory_space<hbm>>
        %dma_wait3A_470 = arith.constant 0 : i32
        %dma_wait3A_471 = arith.constant 0 : i32
        %dma_wait3A_472 = tpu.memref_slice %arg7[%dma_wait3A_462, %dma_wait3A_470, %dma_wait3A_471] : memref<16x8x28xf32, #tpu.memory_space<vmem>> -> memref<1x8x28xf32, #tpu.memory_space<vmem>>
        %dma_wait3A_473 = tpu.memref_squeeze %dma_wait3A_472 : memref<1x8x28xf32, #tpu.memory_space<vmem>> -> memref<8x28xf32, #tpu.memory_space<vmem>>
        %dma_wait3A_474 = arith.constant 0 : i32
        %dma_wait3A_475 = tpu.memref_slice %arg3[%select_n3A, %multiple_of3A_186, %dma_wait3A_474] : memref<26x100001x28xf32, #tpu.memory_space<hbm>> -> memref<1x8x28xf32, #tpu.memory_space<hbm>>
        %dma_wait3A_476 = tpu.memref_squeeze %dma_wait3A_475 : memref<1x8x28xf32, #tpu.memory_space<hbm>> -> memref<8x28xf32, #tpu.memory_space<hbm>>
        tpu.wait_dma2 semaphore(%arg8 : memref<!tpu.dma_semaphore, #tpu.memory_space<semaphore_mem>>) src(%dma_wait3A_476 : memref<8x28xf32, #tpu.memory_space<hbm>>) dst(%dma_wait3A_473 : memref<8x28xf32, #tpu.memory_space<vmem>>)
        %dma_wait3A_477 = arith.constant 4 : i32
        %dma_wait3A_478 = arith.constant 0 : i32
        %dma_wait3A_479 = arith.constant 0 : i32
        %dma_wait3A_480 = tpu.memref_slice %arg7[%dma_wait3A_477, %dma_wait3A_478, %dma_wait3A_479] : memref<16x8x28xf32, #tpu.memory_space<vmem>> -> memref<1x8x28xf32, #tpu.memory_space<vmem>>
        %dma_wait3A_481 = tpu.memref_squeeze %dma_wait3A_480 : memref<1x8x28xf32, #tpu.memory_space<vmem>> -> memref<8x28xf32, #tpu.memory_space<vmem>>
        %dma_wait3A_482 = arith.constant 0 : i32
        %dma_wait3A_483 = tpu.memref_slice %arg3[%select_n3A, %multiple_of3A_204, %dma_wait3A_482] : memref<26x100001x28xf32, #tpu.memory_space<hbm>> -> memref<1x8x28xf32, #tpu.memory_space<hbm>>
        %dma_wait3A_484 = tpu.memref_squeeze %dma_wait3A_483 : memref<1x8x28xf32, #tpu.memory_space<hbm>> -> memref<8x28xf32, #tpu.memory_space<hbm>>
        %dma_wait3A_485 = arith.constant 0 : i32
        %dma_wait3A_486 = arith.constant 0 : i32
        %dma_wait3A_487 = tpu.memref_slice %arg7[%dma_wait3A_477, %dma_wait3A_485, %dma_wait3A_486] : memref<16x8x28xf32, #tpu.memory_space<vmem>> -> memref<1x8x28xf32, #tpu.memory_space<vmem>>
        %dma_wait3A_488 = tpu.memref_squeeze %dma_wait3A_487 : memref<1x8x28xf32, #tpu.memory_space<vmem>> -> memref<8x28xf32, #tpu.memory_space<vmem>>
        %dma_wait3A_489 = arith.constant 0 : i32
        %dma_wait3A_490 = tpu.memref_slice %arg3[%select_n3A, %multiple_of3A_204, %dma_wait3A_489] : memref<26x100001x28xf32, #tpu.memory_space<hbm>> -> memref<1x8x28xf32, #tpu.memory_space<hbm>>
        %dma_wait3A_491 = tpu.memref_squeeze %dma_wait3A_490 : memref<1x8x28xf32, #tpu.memory_space<hbm>> -> memref<8x28xf32, #tpu.memory_space<hbm>>
        tpu.wait_dma2 semaphore(%arg8 : memref<!tpu.dma_semaphore, #tpu.memory_space<semaphore_mem>>) src(%dma_wait3A_491 : memref<8x28xf32, #tpu.memory_space<hbm>>) dst(%dma_wait3A_488 : memref<8x28xf32, #tpu.memory_space<vmem>>)
        %dma_wait3A_492 = arith.constant 5 : i32
        %dma_wait3A_493 = arith.constant 0 : i32
        %dma_wait3A_494 = arith.constant 0 : i32
        %dma_wait3A_495 = tpu.memref_slice %arg7[%dma_wait3A_492, %dma_wait3A_493, %dma_wait3A_494] : memref<16x8x28xf32, #tpu.memory_space<vmem>> -> memref<1x8x28xf32, #tpu.memory_space<vmem>>
        %dma_wait3A_496 = tpu.memref_squeeze %dma_wait3A_495 : memref<1x8x28xf32, #tpu.memory_space<vmem>> -> memref<8x28xf32, #tpu.memory_space<vmem>>
        %dma_wait3A_497 = arith.constant 0 : i32
        %dma_wait3A_498 = tpu.memref_slice %arg3[%select_n3A, %multiple_of3A_222, %dma_wait3A_497] : memref<26x100001x28xf32, #tpu.memory_space<hbm>> -> memref<1x8x28xf32, #tpu.memory_space<hbm>>
        %dma_wait3A_499 = tpu.memref_squeeze %dma_wait3A_498 : memref<1x8x28xf32, #tpu.memory_space<hbm>> -> memref<8x28xf32, #tpu.memory_space<hbm>>
        %dma_wait3A_500 = arith.constant 0 : i32
        %dma_wait3A_501 = arith.constant 0 : i32
        %dma_wait3A_502 = tpu.memref_slice %arg7[%dma_wait3A_492, %dma_wait3A_500, %dma_wait3A_501] : memref<16x8x28xf32, #tpu.memory_space<vmem>> -> memref<1x8x28xf32, #tpu.memory_space<vmem>>
        %dma_wait3A_503 = tpu.memref_squeeze %dma_wait3A_502 : memref<1x8x28xf32, #tpu.memory_space<vmem>> -> memref<8x28xf32, #tpu.memory_space<vmem>>
        %dma_wait3A_504 = arith.constant 0 : i32
        %dma_wait3A_505 = tpu.memref_slice %arg3[%select_n3A, %multiple_of3A_222, %dma_wait3A_504] : memref<26x100001x28xf32, #tpu.memory_space<hbm>> -> memref<1x8x28xf32, #tpu.memory_space<hbm>>
        %dma_wait3A_506 = tpu.memref_squeeze %dma_wait3A_505 : memref<1x8x28xf32, #tpu.memory_space<hbm>> -> memref<8x28xf32, #tpu.memory_space<hbm>>
        tpu.wait_dma2 semaphore(%arg8 : memref<!tpu.dma_semaphore, #tpu.memory_space<semaphore_mem>>) src(%dma_wait3A_506 : memref<8x28xf32, #tpu.memory_space<hbm>>) dst(%dma_wait3A_503 : memref<8x28xf32, #tpu.memory_space<vmem>>)
        %dma_wait3A_507 = arith.constant 6 : i32
        %dma_wait3A_508 = arith.constant 0 : i32
        %dma_wait3A_509 = arith.constant 0 : i32
        %dma_wait3A_510 = tpu.memref_slice %arg7[%dma_wait3A_507, %dma_wait3A_508, %dma_wait3A_509] : memref<16x8x28xf32, #tpu.memory_space<vmem>> -> memref<1x8x28xf32, #tpu.memory_space<vmem>>
        %dma_wait3A_511 = tpu.memref_squeeze %dma_wait3A_510 : memref<1x8x28xf32, #tpu.memory_space<vmem>> -> memref<8x28xf32, #tpu.memory_space<vmem>>
        %dma_wait3A_512 = arith.constant 0 : i32
        %dma_wait3A_513 = tpu.memref_slice %arg3[%select_n3A, %multiple_of3A_240, %dma_wait3A_512] : memref<26x100001x28xf32, #tpu.memory_space<hbm>> -> memref<1x8x28xf32, #tpu.memory_space<hbm>>
        %dma_wait3A_514 = tpu.memref_squeeze %dma_wait3A_513 : memref<1x8x28xf32, #tpu.memory_space<hbm>> -> memref<8x28xf32, #tpu.memory_space<hbm>>
        %dma_wait3A_515 = arith.constant 0 : i32
        %dma_wait3A_516 = arith.constant 0 : i32
        %dma_wait3A_517 = tpu.memref_slice %arg7[%dma_wait3A_507, %dma_wait3A_515, %dma_wait3A_516] : memref<16x8x28xf32, #tpu.memory_space<vmem>> -> memref<1x8x28xf32, #tpu.memory_space<vmem>>
        %dma_wait3A_518 = tpu.memref_squeeze %dma_wait3A_517 : memref<1x8x28xf32, #tpu.memory_space<vmem>> -> memref<8x28xf32, #tpu.memory_space<vmem>>
        %dma_wait3A_519 = arith.constant 0 : i32
        %dma_wait3A_520 = tpu.memref_slice %arg3[%select_n3A, %multiple_of3A_240, %dma_wait3A_519] : memref<26x100001x28xf32, #tpu.memory_space<hbm>> -> memref<1x8x28xf32, #tpu.memory_space<hbm>>
        %dma_wait3A_521 = tpu.memref_squeeze %dma_wait3A_520 : memref<1x8x28xf32, #tpu.memory_space<hbm>> -> memref<8x28xf32, #tpu.memory_space<hbm>>
        tpu.wait_dma2 semaphore(%arg8 : memref<!tpu.dma_semaphore, #tpu.memory_space<semaphore_mem>>) src(%dma_wait3A_521 : memref<8x28xf32, #tpu.memory_space<hbm>>) dst(%dma_wait3A_518 : memref<8x28xf32, #tpu.memory_space<vmem>>)
        %dma_wait3A_522 = arith.constant 7 : i32
        %dma_wait3A_523 = arith.constant 0 : i32
        %dma_wait3A_524 = arith.constant 0 : i32
        %dma_wait3A_525 = tpu.memref_slice %arg7[%dma_wait3A_522, %dma_wait3A_523, %dma_wait3A_524] : memref<16x8x28xf32, #tpu.memory_space<vmem>> -> memref<1x8x28xf32, #tpu.memory_space<vmem>>
        %dma_wait3A_526 = tpu.memref_squeeze %dma_wait3A_525 : memref<1x8x28xf32, #tpu.memory_space<vmem>> -> memref<8x28xf32, #tpu.memory_space<vmem>>
        %dma_wait3A_527 = arith.constant 0 : i32
        %dma_wait3A_528 = tpu.memref_slice %arg3[%select_n3A, %multiple_of3A_258, %dma_wait3A_527] : memref<26x100001x28xf32, #tpu.memory_space<hbm>> -> memref<1x8x28xf32, #tpu.memory_space<hbm>>
        %dma_wait3A_529 = tpu.memref_squeeze %dma_wait3A_528 : memref<1x8x28xf32, #tpu.memory_space<hbm>> -> memref<8x28xf32, #tpu.memory_space<hbm>>
        %dma_wait3A_530 = arith.constant 0 : i32
        %dma_wait3A_531 = arith.constant 0 : i32
        %dma_wait3A_532 = tpu.memref_slice %arg7[%dma_wait3A_522, %dma_wait3A_530, %dma_wait3A_531] : memref<16x8x28xf32, #tpu.memory_space<vmem>> -> memref<1x8x28xf32, #tpu.memory_space<vmem>>
        %dma_wait3A_533 = tpu.memref_squeeze %dma_wait3A_532 : memref<1x8x28xf32, #tpu.memory_space<vmem>> -> memref<8x28xf32, #tpu.memory_space<vmem>>
        %dma_wait3A_534 = arith.constant 0 : i32
        %dma_wait3A_535 = tpu.memref_slice %arg3[%select_n3A, %multiple_of3A_258, %dma_wait3A_534] : memref<26x100001x28xf32, #tpu.memory_space<hbm>> -> memref<1x8x28xf32, #tpu.memory_space<hbm>>
        %dma_wait3A_536 = tpu.memref_squeeze %dma_wait3A_535 : memref<1x8x28xf32, #tpu.memory_space<hbm>> -> memref<8x28xf32, #tpu.memory_space<hbm>>
        tpu.wait_dma2 semaphore(%arg8 : memref<!tpu.dma_semaphore, #tpu.memory_space<semaphore_mem>>) src(%dma_wait3A_536 : memref<8x28xf32, #tpu.memory_space<hbm>>) dst(%dma_wait3A_533 : memref<8x28xf32, #tpu.memory_space<vmem>>)
        %dma_wait3A_537 = arith.constant 8 : i32
        %dma_wait3A_538 = arith.constant 0 : i32
        %dma_wait3A_539 = arith.constant 0 : i32
        %dma_wait3A_540 = tpu.memref_slice %arg7[%dma_wait3A_537, %dma_wait3A_538, %dma_wait3A_539] : memref<16x8x28xf32, #tpu.memory_space<vmem>> -> memref<1x8x28xf32, #tpu.memory_space<vmem>>
        %dma_wait3A_541 = tpu.memref_squeeze %dma_wait3A_540 : memref<1x8x28xf32, #tpu.memory_space<vmem>> -> memref<8x28xf32, #tpu.memory_space<vmem>>
        %dma_wait3A_542 = arith.constant 0 : i32
        %dma_wait3A_543 = tpu.memref_slice %arg3[%select_n3A, %multiple_of3A_276, %dma_wait3A_542] : memref<26x100001x28xf32, #tpu.memory_space<hbm>> -> memref<1x8x28xf32, #tpu.memory_space<hbm>>
        %dma_wait3A_544 = tpu.memref_squeeze %dma_wait3A_543 : memref<1x8x28xf32, #tpu.memory_space<hbm>> -> memref<8x28xf32, #tpu.memory_space<hbm>>
        %dma_wait3A_545 = arith.constant 0 : i32
        %dma_wait3A_546 = arith.constant 0 : i32
        %dma_wait3A_547 = tpu.memref_slice %arg7[%dma_wait3A_537, %dma_wait3A_545, %dma_wait3A_546] : memref<16x8x28xf32, #tpu.memory_space<vmem>> -> memref<1x8x28xf32, #tpu.memory_space<vmem>>
        %dma_wait3A_548 = tpu.memref_squeeze %dma_wait3A_547 : memref<1x8x28xf32, #tpu.memory_space<vmem>> -> memref<8x28xf32, #tpu.memory_space<vmem>>
        %dma_wait3A_549 = arith.constant 0 : i32
        %dma_wait3A_550 = tpu.memref_slice %arg3[%select_n3A, %multiple_of3A_276, %dma_wait3A_549] : memref<26x100001x28xf32, #tpu.memory_space<hbm>> -> memref<1x8x28xf32, #tpu.memory_space<hbm>>
        %dma_wait3A_551 = tpu.memref_squeeze %dma_wait3A_550 : memref<1x8x28xf32, #tpu.memory_space<hbm>> -> memref<8x28xf32, #tpu.memory_space<hbm>>
        tpu.wait_dma2 semaphore(%arg8 : memref<!tpu.dma_semaphore, #tpu.memory_space<semaphore_mem>>) src(%dma_wait3A_551 : memref<8x28xf32, #tpu.memory_space<hbm>>) dst(%dma_wait3A_548 : memref<8x28xf32, #tpu.memory_space<vmem>>)
        %dma_wait3A_552 = arith.constant 9 : i32
        %dma_wait3A_553 = arith.constant 0 : i32
        %dma_wait3A_554 = arith.constant 0 : i32
        %dma_wait3A_555 = tpu.memref_slice %arg7[%dma_wait3A_552, %dma_wait3A_553, %dma_wait3A_554] : memref<16x8x28xf32, #tpu.memory_space<vmem>> -> memref<1x8x28xf32, #tpu.memory_space<vmem>>
        %dma_wait3A_556 = tpu.memref_squeeze %dma_wait3A_555 : memref<1x8x28xf32, #tpu.memory_space<vmem>> -> memref<8x28xf32, #tpu.memory_space<vmem>>
        %dma_wait3A_557 = arith.constant 0 : i32
        %dma_wait3A_558 = tpu.memref_slice %arg3[%select_n3A, %multiple_of3A_294, %dma_wait3A_557] : memref<26x100001x28xf32, #tpu.memory_space<hbm>> -> memref<1x8x28xf32, #tpu.memory_space<hbm>>
        %dma_wait3A_559 = tpu.memref_squeeze %dma_wait3A_558 : memref<1x8x28xf32, #tpu.memory_space<hbm>> -> memref<8x28xf32, #tpu.memory_space<hbm>>
        %dma_wait3A_560 = arith.constant 0 : i32
        %dma_wait3A_561 = arith.constant 0 : i32
        %dma_wait3A_562 = tpu.memref_slice %arg7[%dma_wait3A_552, %dma_wait3A_560, %dma_wait3A_561] : memref<16x8x28xf32, #tpu.memory_space<vmem>> -> memref<1x8x28xf32, #tpu.memory_space<vmem>>
        %dma_wait3A_563 = tpu.memref_squeeze %dma_wait3A_562 : memref<1x8x28xf32, #tpu.memory_space<vmem>> -> memref<8x28xf32, #tpu.memory_space<vmem>>
        %dma_wait3A_564 = arith.constant 0 : i32
        %dma_wait3A_565 = tpu.memref_slice %arg3[%select_n3A, %multiple_of3A_294, %dma_wait3A_564] : memref<26x100001x28xf32, #tpu.memory_space<hbm>> -> memref<1x8x28xf32, #tpu.memory_space<hbm>>
        %dma_wait3A_566 = tpu.memref_squeeze %dma_wait3A_565 : memref<1x8x28xf32, #tpu.memory_space<hbm>> -> memref<8x28xf32, #tpu.memory_space<hbm>>
        tpu.wait_dma2 semaphore(%arg8 : memref<!tpu.dma_semaphore, #tpu.memory_space<semaphore_mem>>) src(%dma_wait3A_566 : memref<8x28xf32, #tpu.memory_space<hbm>>) dst(%dma_wait3A_563 : memref<8x28xf32, #tpu.memory_space<vmem>>)
        %dma_wait3A_567 = arith.constant 10 : i32
        %dma_wait3A_568 = arith.constant 0 : i32
        %dma_wait3A_569 = arith.constant 0 : i32
        %dma_wait3A_570 = tpu.memref_slice %arg7[%dma_wait3A_567, %dma_wait3A_568, %dma_wait3A_569] : memref<16x8x28xf32, #tpu.memory_space<vmem>> -> memref<1x8x28xf32, #tpu.memory_space<vmem>>
        %dma_wait3A_571 = tpu.memref_squeeze %dma_wait3A_570 : memref<1x8x28xf32, #tpu.memory_space<vmem>> -> memref<8x28xf32, #tpu.memory_space<vmem>>
        %dma_wait3A_572 = arith.constant 0 : i32
        %dma_wait3A_573 = tpu.memref_slice %arg3[%select_n3A, %multiple_of3A_312, %dma_wait3A_572] : memref<26x100001x28xf32, #tpu.memory_space<hbm>> -> memref<1x8x28xf32, #tpu.memory_space<hbm>>
        %dma_wait3A_574 = tpu.memref_squeeze %dma_wait3A_573 : memref<1x8x28xf32, #tpu.memory_space<hbm>> -> memref<8x28xf32, #tpu.memory_space<hbm>>
        %dma_wait3A_575 = arith.constant 0 : i32
        %dma_wait3A_576 = arith.constant 0 : i32
        %dma_wait3A_577 = tpu.memref_slice %arg7[%dma_wait3A_567, %dma_wait3A_575, %dma_wait3A_576] : memref<16x8x28xf32, #tpu.memory_space<vmem>> -> memref<1x8x28xf32, #tpu.memory_space<vmem>>
        %dma_wait3A_578 = tpu.memref_squeeze %dma_wait3A_577 : memref<1x8x28xf32, #tpu.memory_space<vmem>> -> memref<8x28xf32, #tpu.memory_space<vmem>>
        %dma_wait3A_579 = arith.constant 0 : i32
        %dma_wait3A_580 = tpu.memref_slice %arg3[%select_n3A, %multiple_of3A_312, %dma_wait3A_579] : memref<26x100001x28xf32, #tpu.memory_space<hbm>> -> memref<1x8x28xf32, #tpu.memory_space<hbm>>
        %dma_wait3A_581 = tpu.memref_squeeze %dma_wait3A_580 : memref<1x8x28xf32, #tpu.memory_space<hbm>> -> memref<8x28xf32, #tpu.memory_space<hbm>>
        tpu.wait_dma2 semaphore(%arg8 : memref<!tpu.dma_semaphore, #tpu.memory_space<semaphore_mem>>) src(%dma_wait3A_581 : memref<8x28xf32, #tpu.memory_space<hbm>>) dst(%dma_wait3A_578 : memref<8x28xf32, #tpu.memory_space<vmem>>)
        %dma_wait3A_582 = arith.constant 11 : i32
        %dma_wait3A_583 = arith.constant 0 : i32
        %dma_wait3A_584 = arith.constant 0 : i32
        %dma_wait3A_585 = tpu.memref_slice %arg7[%dma_wait3A_582, %dma_wait3A_583, %dma_wait3A_584] : memref<16x8x28xf32, #tpu.memory_space<vmem>> -> memref<1x8x28xf32, #tpu.memory_space<vmem>>
        %dma_wait3A_586 = tpu.memref_squeeze %dma_wait3A_585 : memref<1x8x28xf32, #tpu.memory_space<vmem>> -> memref<8x28xf32, #tpu.memory_space<vmem>>
        %dma_wait3A_587 = arith.constant 0 : i32
        %dma_wait3A_588 = tpu.memref_slice %arg3[%select_n3A, %multiple_of3A_330, %dma_wait3A_587] : memref<26x100001x28xf32, #tpu.memory_space<hbm>> -> memref<1x8x28xf32, #tpu.memory_space<hbm>>
        %dma_wait3A_589 = tpu.memref_squeeze %dma_wait3A_588 : memref<1x8x28xf32, #tpu.memory_space<hbm>> -> memref<8x28xf32, #tpu.memory_space<hbm>>
        %dma_wait3A_590 = arith.constant 0 : i32
        %dma_wait3A_591 = arith.constant 0 : i32
        %dma_wait3A_592 = tpu.memref_slice %arg7[%dma_wait3A_582, %dma_wait3A_590, %dma_wait3A_591] : memref<16x8x28xf32, #tpu.memory_space<vmem>> -> memref<1x8x28xf32, #tpu.memory_space<vmem>>
        %dma_wait3A_593 = tpu.memref_squeeze %dma_wait3A_592 : memref<1x8x28xf32, #tpu.memory_space<vmem>> -> memref<8x28xf32, #tpu.memory_space<vmem>>
        %dma_wait3A_594 = arith.constant 0 : i32
        %dma_wait3A_595 = tpu.memref_slice %arg3[%select_n3A, %multiple_of3A_330, %dma_wait3A_594] : memref<26x100001x28xf32, #tpu.memory_space<hbm>> -> memref<1x8x28xf32, #tpu.memory_space<hbm>>
        %dma_wait3A_596 = tpu.memref_squeeze %dma_wait3A_595 : memref<1x8x28xf32, #tpu.memory_space<hbm>> -> memref<8x28xf32, #tpu.memory_space<hbm>>
        tpu.wait_dma2 semaphore(%arg8 : memref<!tpu.dma_semaphore, #tpu.memory_space<semaphore_mem>>) src(%dma_wait3A_596 : memref<8x28xf32, #tpu.memory_space<hbm>>) dst(%dma_wait3A_593 : memref<8x28xf32, #tpu.memory_space<vmem>>)
        %dma_wait3A_597 = arith.constant 12 : i32
        %dma_wait3A_598 = arith.constant 0 : i32
        %dma_wait3A_599 = arith.constant 0 : i32
        %dma_wait3A_600 = tpu.memref_slice %arg7[%dma_wait3A_597, %dma_wait3A_598, %dma_wait3A_599] : memref<16x8x28xf32, #tpu.memory_space<vmem>> -> memref<1x8x28xf32, #tpu.memory_space<vmem>>
        %dma_wait3A_601 = tpu.memref_squeeze %dma_wait3A_600 : memref<1x8x28xf32, #tpu.memory_space<vmem>> -> memref<8x28xf32, #tpu.memory_space<vmem>>
        %dma_wait3A_602 = arith.constant 0 : i32
        %dma_wait3A_603 = tpu.memref_slice %arg3[%select_n3A, %multiple_of3A_348, %dma_wait3A_602] : memref<26x100001x28xf32, #tpu.memory_space<hbm>> -> memref<1x8x28xf32, #tpu.memory_space<hbm>>
        %dma_wait3A_604 = tpu.memref_squeeze %dma_wait3A_603 : memref<1x8x28xf32, #tpu.memory_space<hbm>> -> memref<8x28xf32, #tpu.memory_space<hbm>>
        %dma_wait3A_605 = arith.constant 0 : i32
        %dma_wait3A_606 = arith.constant 0 : i32
        %dma_wait3A_607 = tpu.memref_slice %arg7[%dma_wait3A_597, %dma_wait3A_605, %dma_wait3A_606] : memref<16x8x28xf32, #tpu.memory_space<vmem>> -> memref<1x8x28xf32, #tpu.memory_space<vmem>>
        %dma_wait3A_608 = tpu.memref_squeeze %dma_wait3A_607 : memref<1x8x28xf32, #tpu.memory_space<vmem>> -> memref<8x28xf32, #tpu.memory_space<vmem>>
        %dma_wait3A_609 = arith.constant 0 : i32
        %dma_wait3A_610 = tpu.memref_slice %arg3[%select_n3A, %multiple_of3A_348, %dma_wait3A_609] : memref<26x100001x28xf32, #tpu.memory_space<hbm>> -> memref<1x8x28xf32, #tpu.memory_space<hbm>>
        %dma_wait3A_611 = tpu.memref_squeeze %dma_wait3A_610 : memref<1x8x28xf32, #tpu.memory_space<hbm>> -> memref<8x28xf32, #tpu.memory_space<hbm>>
        tpu.wait_dma2 semaphore(%arg8 : memref<!tpu.dma_semaphore, #tpu.memory_space<semaphore_mem>>) src(%dma_wait3A_611 : memref<8x28xf32, #tpu.memory_space<hbm>>) dst(%dma_wait3A_608 : memref<8x28xf32, #tpu.memory_space<vmem>>)
        %dma_wait3A_612 = arith.constant 13 : i32
        %dma_wait3A_613 = arith.constant 0 : i32
        %dma_wait3A_614 = arith.constant 0 : i32
        %dma_wait3A_615 = tpu.memref_slice %arg7[%dma_wait3A_612, %dma_wait3A_613, %dma_wait3A_614] : memref<16x8x28xf32, #tpu.memory_space<vmem>> -> memref<1x8x28xf32, #tpu.memory_space<vmem>>
        %dma_wait3A_616 = tpu.memref_squeeze %dma_wait3A_615 : memref<1x8x28xf32, #tpu.memory_space<vmem>> -> memref<8x28xf32, #tpu.memory_space<vmem>>
        %dma_wait3A_617 = arith.constant 0 : i32
        %dma_wait3A_618 = tpu.memref_slice %arg3[%select_n3A, %multiple_of3A_366, %dma_wait3A_617] : memref<26x100001x28xf32, #tpu.memory_space<hbm>> -> memref<1x8x28xf32, #tpu.memory_space<hbm>>
        %dma_wait3A_619 = tpu.memref_squeeze %dma_wait3A_618 : memref<1x8x28xf32, #tpu.memory_space<hbm>> -> memref<8x28xf32, #tpu.memory_space<hbm>>
        %dma_wait3A_620 = arith.constant 0 : i32
        %dma_wait3A_621 = arith.constant 0 : i32
        %dma_wait3A_622 = tpu.memref_slice %arg7[%dma_wait3A_612, %dma_wait3A_620, %dma_wait3A_621] : memref<16x8x28xf32, #tpu.memory_space<vmem>> -> memref<1x8x28xf32, #tpu.memory_space<vmem>>
        %dma_wait3A_623 = tpu.memref_squeeze %dma_wait3A_622 : memref<1x8x28xf32, #tpu.memory_space<vmem>> -> memref<8x28xf32, #tpu.memory_space<vmem>>
        %dma_wait3A_624 = arith.constant 0 : i32
        %dma_wait3A_625 = tpu.memref_slice %arg3[%select_n3A, %multiple_of3A_366, %dma_wait3A_624] : memref<26x100001x28xf32, #tpu.memory_space<hbm>> -> memref<1x8x28xf32, #tpu.memory_space<hbm>>
        %dma_wait3A_626 = tpu.memref_squeeze %dma_wait3A_625 : memref<1x8x28xf32, #tpu.memory_space<hbm>> -> memref<8x28xf32, #tpu.memory_space<hbm>>
        tpu.wait_dma2 semaphore(%arg8 : memref<!tpu.dma_semaphore, #tpu.memory_space<semaphore_mem>>) src(%dma_wait3A_626 : memref<8x28xf32, #tpu.memory_space<hbm>>) dst(%dma_wait3A_623 : memref<8x28xf32, #tpu.memory_space<vmem>>)
        %dma_wait3A_627 = arith.constant 14 : i32
        %dma_wait3A_628 = arith.constant 0 : i32
        %dma_wait3A_629 = arith.constant 0 : i32
        %dma_wait3A_630 = tpu.memref_slice %arg7[%dma_wait3A_627, %dma_wait3A_628, %dma_wait3A_629] : memref<16x8x28xf32, #tpu.memory_space<vmem>> -> memref<1x8x28xf32, #tpu.memory_space<vmem>>
        %dma_wait3A_631 = tpu.memref_squeeze %dma_wait3A_630 : memref<1x8x28xf32, #tpu.memory_space<vmem>> -> memref<8x28xf32, #tpu.memory_space<vmem>>
        %dma_wait3A_632 = arith.constant 0 : i32
        %dma_wait3A_633 = tpu.memref_slice %arg3[%select_n3A, %multiple_of3A_384, %dma_wait3A_632] : memref<26x100001x28xf32, #tpu.memory_space<hbm>> -> memref<1x8x28xf32, #tpu.memory_space<hbm>>
        %dma_wait3A_634 = tpu.memref_squeeze %dma_wait3A_633 : memref<1x8x28xf32, #tpu.memory_space<hbm>> -> memref<8x28xf32, #tpu.memory_space<hbm>>
        %dma_wait3A_635 = arith.constant 0 : i32
        %dma_wait3A_636 = arith.constant 0 : i32
        %dma_wait3A_637 = tpu.memref_slice %arg7[%dma_wait3A_627, %dma_wait3A_635, %dma_wait3A_636] : memref<16x8x28xf32, #tpu.memory_space<vmem>> -> memref<1x8x28xf32, #tpu.memory_space<vmem>>
        %dma_wait3A_638 = tpu.memref_squeeze %dma_wait3A_637 : memref<1x8x28xf32, #tpu.memory_space<vmem>> -> memref<8x28xf32, #tpu.memory_space<vmem>>
        %dma_wait3A_639 = arith.constant 0 : i32
        %dma_wait3A_640 = tpu.memref_slice %arg3[%select_n3A, %multiple_of3A_384, %dma_wait3A_639] : memref<26x100001x28xf32, #tpu.memory_space<hbm>> -> memref<1x8x28xf32, #tpu.memory_space<hbm>>
        %dma_wait3A_641 = tpu.memref_squeeze %dma_wait3A_640 : memref<1x8x28xf32, #tpu.memory_space<hbm>> -> memref<8x28xf32, #tpu.memory_space<hbm>>
        tpu.wait_dma2 semaphore(%arg8 : memref<!tpu.dma_semaphore, #tpu.memory_space<semaphore_mem>>) src(%dma_wait3A_641 : memref<8x28xf32, #tpu.memory_space<hbm>>) dst(%dma_wait3A_638 : memref<8x28xf32, #tpu.memory_space<vmem>>)
        %dma_wait3A_642 = arith.constant 15 : i32
        %dma_wait3A_643 = arith.constant 0 : i32
        %dma_wait3A_644 = arith.constant 0 : i32
        %dma_wait3A_645 = tpu.memref_slice %arg7[%dma_wait3A_642, %dma_wait3A_643, %dma_wait3A_644] : memref<16x8x28xf32, #tpu.memory_space<vmem>> -> memref<1x8x28xf32, #tpu.memory_space<vmem>>
        %dma_wait3A_646 = tpu.memref_squeeze %dma_wait3A_645 : memref<1x8x28xf32, #tpu.memory_space<vmem>> -> memref<8x28xf32, #tpu.memory_space<vmem>>
        %dma_wait3A_647 = arith.constant 0 : i32
        %dma_wait3A_648 = tpu.memref_slice %arg3[%select_n3A, %multiple_of3A_402, %dma_wait3A_647] : memref<26x100001x28xf32, #tpu.memory_space<hbm>> -> memref<1x8x28xf32, #tpu.memory_space<hbm>>
        %dma_wait3A_649 = tpu.memref_squeeze %dma_wait3A_648 : memref<1x8x28xf32, #tpu.memory_space<hbm>> -> memref<8x28xf32, #tpu.memory_space<hbm>>
        %dma_wait3A_650 = arith.constant 0 : i32
        %dma_wait3A_651 = arith.constant 0 : i32
        %dma_wait3A_652 = tpu.memref_slice %arg7[%dma_wait3A_642, %dma_wait3A_650, %dma_wait3A_651] : memref<16x8x28xf32, #tpu.memory_space<vmem>> -> memref<1x8x28xf32, #tpu.memory_space<vmem>>
        %dma_wait3A_653 = tpu.memref_squeeze %dma_wait3A_652 : memref<1x8x28xf32, #tpu.memory_space<vmem>> -> memref<8x28xf32, #tpu.memory_space<vmem>>
        %dma_wait3A_654 = arith.constant 0 : i32
        %dma_wait3A_655 = tpu.memref_slice %arg3[%select_n3A, %multiple_of3A_402, %dma_wait3A_654] : memref<26x100001x28xf32, #tpu.memory_space<hbm>> -> memref<1x8x28xf32, #tpu.memory_space<hbm>>
        %dma_wait3A_656 = tpu.memref_squeeze %dma_wait3A_655 : memref<1x8x28xf32, #tpu.memory_space<hbm>> -> memref<8x28xf32, #tpu.memory_space<hbm>>
        tpu.wait_dma2 semaphore(%arg8 : memref<!tpu.dma_semaphore, #tpu.memory_space<semaphore_mem>>) src(%dma_wait3A_656 : memref<8x28xf32, #tpu.memory_space<hbm>>) dst(%dma_wait3A_653 : memref<8x28xf32, #tpu.memory_space<vmem>>)
        %jit3A_657 = arith.constant 8 : i32
        %eq3A_658 = arith.constant 0 : i32
        %eq3A_659 = arith.cmpi eq, %jit3A_657, %eq3A_658 : i32
        %jit3A_660 = arith.constant 1 : i32
        %select_n3A_661 = arith.select %eq3A_659, %jit3A_660, %jit3A_657 : i32
        %rem3A_662 = vector.broadcast %select_n3A_661 : i32 to vector<16xi32>
        %rem3A_663 = arith.remsi %get3A_99, %rem3A_662 : vector<16xi32>
        %ne3A_664 = arith.constant 0 : i32
        %ne3A_665 = vector.broadcast %ne3A_664 : i32 to vector<16xi32>
        %ne3A_666 = arith.cmpi ne, %rem3A_663, %ne3A_665 : vector<16xi32>
        %lt3A_667 = arith.constant 0 : i32
        %lt3A_668 = vector.broadcast %lt3A_667 : i32 to vector<16xi32>
        %lt3A_669 = arith.cmpi slt, %rem3A_663, %lt3A_668 : vector<16xi32>
        %lt3A_670 = arith.constant 0 : i32
        %lt3A_671 = arith.cmpi slt, %select_n3A_661, %lt3A_670 : i32
        %ne3A_672 = vector.broadcast %lt3A_671 : i1 to vector<16xi1>
        %ne3A_673 = vector.broadcast %ne3A_672 : vector<16xi1> to vector<16xi1>
        %ne3A_674 = arith.xori %lt3A_669, %ne3A_673 : vector<16xi1>
        %and3A_675 = arith.andi %ne3A_674, %ne3A_666 : vector<16xi1>
        %add3A_676 = vector.broadcast %select_n3A_661 : i32 to vector<16xi32>
        %add3A_677 = arith.addi %rem3A_663, %add3A_676 : vector<16xi32>
        %select_n3A_678 = arith.select %and3A_675, %add3A_677, %rem3A_663 : vector<16xi1>, vector<16xi32>
        %mul3A_679 = arith.constant 16 : i32
        %mul3A_680 = arith.muli %scan3A_54, %mul3A_679 : i32
        %add3A_681 = vector.broadcast %mul3A_680 : i32 to vector<16xi32>
        %add3A_682 = arith.addi %add3A_681, %iota3A : vector<16xi32>
        %mul3A_683 = arith.constant 0 : i32
        %mul3A_684 = vector.broadcast %mul3A_683 : i32 to vector<16xi32>
        %mul3A_685 = arith.muli %iota3A, %mul3A_684 : vector<16xi32>
        %add3A_686 = arith.constant 0 : i32
        %add3A_687 = vector.broadcast %add3A_686 : i32 to vector<16xi32>
        %add3A_688 = arith.addi %mul3A_685, %add3A_687 : vector<16xi32>
        %gather3A = tpu.vector_load_idx %arg7[%iota3A, %select_n3A_678, %add3A_688] : memref<16x8x28xf32, #tpu.memory_space<vmem>>[vector<16xi32>, vector<16xi32>, vector<16xi32>], vector<16xf32>,
        tpu.vector_store_idx %arg6[%add3A_682, %add3A_688], %gather3A : memref<512x28xf32, #tpu.memory_space<vmem>>[vector<16xi32>, vector<16xi32>], vector<16xf32>,
        %mul3A_689 = arith.constant 0 : i32
        %mul3A_690 = vector.broadcast %mul3A_689 : i32 to vector<16xi32>
        %mul3A_691 = arith.muli %iota3A, %mul3A_690 : vector<16xi32>
        %add3A_692 = arith.constant 1 : i32
        %add3A_693 = vector.broadcast %add3A_692 : i32 to vector<16xi32>
        %add3A_694 = arith.addi %mul3A_691, %add3A_693 : vector<16xi32>
        %gather3A_695 = tpu.vector_load_idx %arg7[%iota3A, %select_n3A_678, %add3A_694] : memref<16x8x28xf32, #tpu.memory_space<vmem>>[vector<16xi32>, vector<16xi32>, vector<16xi32>], vector<16xf32>,
        tpu.vector_store_idx %arg6[%add3A_682, %add3A_694], %gather3A_695 : memref<512x28xf32, #tpu.memory_space<vmem>>[vector<16xi32>, vector<16xi32>], vector<16xf32>,
        %mul3A_696 = arith.constant 0 : i32
        %mul3A_697 = vector.broadcast %mul3A_696 : i32 to vector<16xi32>
        %mul3A_698 = arith.muli %iota3A, %mul3A_697 : vector<16xi32>
        %add3A_699 = arith.constant 2 : i32
        %add3A_700 = vector.broadcast %add3A_699 : i32 to vector<16xi32>
        %add3A_701 = arith.addi %mul3A_698, %add3A_700 : vector<16xi32>
        %gather3A_702 = tpu.vector_load_idx %arg7[%iota3A, %select_n3A_678, %add3A_701] : memref<16x8x28xf32, #tpu.memory_space<vmem>>[vector<16xi32>, vector<16xi32>, vector<16xi32>], vector<16xf32>,
        tpu.vector_store_idx %arg6[%add3A_682, %add3A_701], %gather3A_702 : memref<512x28xf32, #tpu.memory_space<vmem>>[vector<16xi32>, vector<16xi32>], vector<16xf32>,
        %mul3A_703 = arith.constant 0 : i32
        %mul3A_704 = vector.broadcast %mul3A_703 : i32 to vector<16xi32>
        %mul3A_705 = arith.muli %iota3A, %mul3A_704 : vector<16xi32>
        %add3A_706 = arith.constant 3 : i32
        %add3A_707 = vector.broadcast %add3A_706 : i32 to vector<16xi32>
        %add3A_708 = arith.addi %mul3A_705, %add3A_707 : vector<16xi32>
        %gather3A_709 = tpu.vector_load_idx %arg7[%iota3A, %select_n3A_678, %add3A_708] : memref<16x8x28xf32, #tpu.memory_space<vmem>>[vector<16xi32>, vector<16xi32>, vector<16xi32>], vector<16xf32>,
        tpu.vector_store_idx %arg6[%add3A_682, %add3A_708], %gather3A_709 : memref<512x28xf32, #tpu.memory_space<vmem>>[vector<16xi32>, vector<16xi32>], vector<16xf32>,
        %mul3A_710 = arith.constant 0 : i32
        %mul3A_711 = vector.broadcast %mul3A_710 : i32 to vector<16xi32>
        %mul3A_712 = arith.muli %iota3A, %mul3A_711 : vector<16xi32>
        %add3A_713 = arith.constant 4 : i32
        %add3A_714 = vector.broadcast %add3A_713 : i32 to vector<16xi32>
        %add3A_715 = arith.addi %mul3A_712, %add3A_714 : vector<16xi32>
        %gather3A_716 = tpu.vector_load_idx %arg7[%iota3A, %select_n3A_678, %add3A_715] : memref<16x8x28xf32, #tpu.memory_space<vmem>>[vector<16xi32>, vector<16xi32>, vector<16xi32>], vector<16xf32>,
        tpu.vector_store_idx %arg6[%add3A_682, %add3A_715], %gather3A_716 : memref<512x28xf32, #tpu.memory_space<vmem>>[vector<16xi32>, vector<16xi32>], vector<16xf32>,
        %mul3A_717 = arith.constant 0 : i32
        %mul3A_718 = vector.broadcast %mul3A_717 : i32 to vector<16xi32>
        %mul3A_719 = arith.muli %iota3A, %mul3A_718 : vector<16xi32>
        %add3A_720 = arith.constant 5 : i32
        %add3A_721 = vector.broadcast %add3A_720 : i32 to vector<16xi32>
        %add3A_722 = arith.addi %mul3A_719, %add3A_721 : vector<16xi32>
        %gather3A_723 = tpu.vector_load_idx %arg7[%iota3A, %select_n3A_678, %add3A_722] : memref<16x8x28xf32, #tpu.memory_space<vmem>>[vector<16xi32>, vector<16xi32>, vector<16xi32>], vector<16xf32>,
        tpu.vector_store_idx %arg6[%add3A_682, %add3A_722], %gather3A_723 : memref<512x28xf32, #tpu.memory_space<vmem>>[vector<16xi32>, vector<16xi32>], vector<16xf32>,
        %mul3A_724 = arith.constant 0 : i32
        %mul3A_725 = vector.broadcast %mul3A_724 : i32 to vector<16xi32>
        %mul3A_726 = arith.muli %iota3A, %mul3A_725 : vector<16xi32>
        %add3A_727 = arith.constant 6 : i32
        %add3A_728 = vector.broadcast %add3A_727 : i32 to vector<16xi32>
        %add3A_729 = arith.addi %mul3A_726, %add3A_728 : vector<16xi32>
        %gather3A_730 = tpu.vector_load_idx %arg7[%iota3A, %select_n3A_678, %add3A_729] : memref<16x8x28xf32, #tpu.memory_space<vmem>>[vector<16xi32>, vector<16xi32>, vector<16xi32>], vector<16xf32>,
        tpu.vector_store_idx %arg6[%add3A_682, %add3A_729], %gather3A_730 : memref<512x28xf32, #tpu.memory_space<vmem>>[vector<16xi32>, vector<16xi32>], vector<16xf32>,
        %mul3A_731 = arith.constant 0 : i32
        %mul3A_732 = vector.broadcast %mul3A_731 : i32 to vector<16xi32>
        %mul3A_733 = arith.muli %iota3A, %mul3A_732 : vector<16xi32>
        %add3A_734 = arith.constant 7 : i32
        %add3A_735 = vector.broadcast %add3A_734 : i32 to vector<16xi32>
        %add3A_736 = arith.addi %mul3A_733, %add3A_735 : vector<16xi32>
        %gather3A_737 = tpu.vector_load_idx %arg7[%iota3A, %select_n3A_678, %add3A_736] : memref<16x8x28xf32, #tpu.memory_space<vmem>>[vector<16xi32>, vector<16xi32>, vector<16xi32>], vector<16xf32>,
        tpu.vector_store_idx %arg6[%add3A_682, %add3A_736], %gather3A_737 : memref<512x28xf32, #tpu.memory_space<vmem>>[vector<16xi32>, vector<16xi32>], vector<16xf32>,
        %mul3A_738 = arith.constant 0 : i32
        %mul3A_739 = vector.broadcast %mul3A_738 : i32 to vector<16xi32>
        %mul3A_740 = arith.muli %iota3A, %mul3A_739 : vector<16xi32>
        %add3A_741 = arith.constant 8 : i32
        %add3A_742 = vector.broadcast %add3A_741 : i32 to vector<16xi32>
        %add3A_743 = arith.addi %mul3A_740, %add3A_742 : vector<16xi32>
        %gather3A_744 = tpu.vector_load_idx %arg7[%iota3A, %select_n3A_678, %add3A_743] : memref<16x8x28xf32, #tpu.memory_space<vmem>>[vector<16xi32>, vector<16xi32>, vector<16xi32>], vector<16xf32>,
        tpu.vector_store_idx %arg6[%add3A_682, %add3A_743], %gather3A_744 : memref<512x28xf32, #tpu.memory_space<vmem>>[vector<16xi32>, vector<16xi32>], vector<16xf32>,
        %mul3A_745 = arith.constant 0 : i32
        %mul3A_746 = vector.broadcast %mul3A_745 : i32 to vector<16xi32>
        %mul3A_747 = arith.muli %iota3A, %mul3A_746 : vector<16xi32>
        %add3A_748 = arith.constant 9 : i32
        %add3A_749 = vector.broadcast %add3A_748 : i32 to vector<16xi32>
        %add3A_750 = arith.addi %mul3A_747, %add3A_749 : vector<16xi32>
        %gather3A_751 = tpu.vector_load_idx %arg7[%iota3A, %select_n3A_678, %add3A_750] : memref<16x8x28xf32, #tpu.memory_space<vmem>>[vector<16xi32>, vector<16xi32>, vector<16xi32>], vector<16xf32>,
        tpu.vector_store_idx %arg6[%add3A_682, %add3A_750], %gather3A_751 : memref<512x28xf32, #tpu.memory_space<vmem>>[vector<16xi32>, vector<16xi32>], vector<16xf32>,
        %mul3A_752 = arith.constant 0 : i32
        %mul3A_753 = vector.broadcast %mul3A_752 : i32 to vector<16xi32>
        %mul3A_754 = arith.muli %iota3A, %mul3A_753 : vector<16xi32>
        %add3A_755 = arith.constant 10 : i32
        %add3A_756 = vector.broadcast %add3A_755 : i32 to vector<16xi32>
        %add3A_757 = arith.addi %mul3A_754, %add3A_756 : vector<16xi32>
        %gather3A_758 = tpu.vector_load_idx %arg7[%iota3A, %select_n3A_678, %add3A_757] : memref<16x8x28xf32, #tpu.memory_space<vmem>>[vector<16xi32>, vector<16xi32>, vector<16xi32>], vector<16xf32>,
        tpu.vector_store_idx %arg6[%add3A_682, %add3A_757], %gather3A_758 : memref<512x28xf32, #tpu.memory_space<vmem>>[vector<16xi32>, vector<16xi32>], vector<16xf32>,
        %mul3A_759 = arith.constant 0 : i32
        %mul3A_760 = vector.broadcast %mul3A_759 : i32 to vector<16xi32>
        %mul3A_761 = arith.muli %iota3A, %mul3A_760 : vector<16xi32>
        %add3A_762 = arith.constant 11 : i32
        %add3A_763 = vector.broadcast %add3A_762 : i32 to vector<16xi32>
        %add3A_764 = arith.addi %mul3A_761, %add3A_763 : vector<16xi32>
        %gather3A_765 = tpu.vector_load_idx %arg7[%iota3A, %select_n3A_678, %add3A_764] : memref<16x8x28xf32, #tpu.memory_space<vmem>>[vector<16xi32>, vector<16xi32>, vector<16xi32>], vector<16xf32>,
        tpu.vector_store_idx %arg6[%add3A_682, %add3A_764], %gather3A_765 : memref<512x28xf32, #tpu.memory_space<vmem>>[vector<16xi32>, vector<16xi32>], vector<16xf32>,
        %mul3A_766 = arith.constant 0 : i32
        %mul3A_767 = vector.broadcast %mul3A_766 : i32 to vector<16xi32>
        %mul3A_768 = arith.muli %iota3A, %mul3A_767 : vector<16xi32>
        %add3A_769 = arith.constant 12 : i32
        %add3A_770 = vector.broadcast %add3A_769 : i32 to vector<16xi32>
        %add3A_771 = arith.addi %mul3A_768, %add3A_770 : vector<16xi32>
        %gather3A_772 = tpu.vector_load_idx %arg7[%iota3A, %select_n3A_678, %add3A_771] : memref<16x8x28xf32, #tpu.memory_space<vmem>>[vector<16xi32>, vector<16xi32>, vector<16xi32>], vector<16xf32>,
        tpu.vector_store_idx %arg6[%add3A_682, %add3A_771], %gather3A_772 : memref<512x28xf32, #tpu.memory_space<vmem>>[vector<16xi32>, vector<16xi32>], vector<16xf32>,
        %mul3A_773 = arith.constant 0 : i32
        %mul3A_774 = vector.broadcast %mul3A_773 : i32 to vector<16xi32>
        %mul3A_775 = arith.muli %iota3A, %mul3A_774 : vector<16xi32>
        %add3A_776 = arith.constant 13 : i32
        %add3A_777 = vector.broadcast %add3A_776 : i32 to vector<16xi32>
        %add3A_778 = arith.addi %mul3A_775, %add3A_777 : vector<16xi32>
        %gather3A_779 = tpu.vector_load_idx %arg7[%iota3A, %select_n3A_678, %add3A_778] : memref<16x8x28xf32, #tpu.memory_space<vmem>>[vector<16xi32>, vector<16xi32>, vector<16xi32>], vector<16xf32>,
        tpu.vector_store_idx %arg6[%add3A_682, %add3A_778], %gather3A_779 : memref<512x28xf32, #tpu.memory_space<vmem>>[vector<16xi32>, vector<16xi32>], vector<16xf32>,
        %mul3A_780 = arith.constant 0 : i32
        %mul3A_781 = vector.broadcast %mul3A_780 : i32 to vector<16xi32>
        %mul3A_782 = arith.muli %iota3A, %mul3A_781 : vector<16xi32>
        %add3A_783 = arith.constant 14 : i32
        %add3A_784 = vector.broadcast %add3A_783 : i32 to vector<16xi32>
        %add3A_785 = arith.addi %mul3A_782, %add3A_784 : vector<16xi32>
        %gather3A_786 = tpu.vector_load_idx %arg7[%iota3A, %select_n3A_678, %add3A_785] : memref<16x8x28xf32, #tpu.memory_space<vmem>>[vector<16xi32>, vector<16xi32>, vector<16xi32>], vector<16xf32>,
        tpu.vector_store_idx %arg6[%add3A_682, %add3A_785], %gather3A_786 : memref<512x28xf32, #tpu.memory_space<vmem>>[vector<16xi32>, vector<16xi32>], vector<16xf32>,
        %mul3A_787 = arith.constant 0 : i32
        %mul3A_788 = vector.broadcast %mul3A_787 : i32 to vector<16xi32>
        %mul3A_789 = arith.muli %iota3A, %mul3A_788 : vector<16xi32>
        %add3A_790 = arith.constant 15 : i32
        %add3A_791 = vector.broadcast %add3A_790 : i32 to vector<16xi32>
        %add3A_792 = arith.addi %mul3A_789, %add3A_791 : vector<16xi32>
        %gather3A_793 = tpu.vector_load_idx %arg7[%iota3A, %select_n3A_678, %add3A_792] : memref<16x8x28xf32, #tpu.memory_space<vmem>>[vector<16xi32>, vector<16xi32>, vector<16xi32>], vector<16xf32>,
        tpu.vector_store_idx %arg6[%add3A_682, %add3A_792], %gather3A_793 : memref<512x28xf32, #tpu.memory_space<vmem>>[vector<16xi32>, vector<16xi32>], vector<16xf32>,
        %mul3A_794 = arith.constant 0 : i32
        %mul3A_795 = vector.broadcast %mul3A_794 : i32 to vector<16xi32>
        %mul3A_796 = arith.muli %iota3A, %mul3A_795 : vector<16xi32>
        %add3A_797 = arith.constant 16 : i32
        %add3A_798 = vector.broadcast %add3A_797 : i32 to vector<16xi32>
        %add3A_799 = arith.addi %mul3A_796, %add3A_798 : vector<16xi32>
        %gather3A_800 = tpu.vector_load_idx %arg7[%iota3A, %select_n3A_678, %add3A_799] : memref<16x8x28xf32, #tpu.memory_space<vmem>>[vector<16xi32>, vector<16xi32>, vector<16xi32>], vector<16xf32>,
        tpu.vector_store_idx %arg6[%add3A_682, %add3A_799], %gather3A_800 : memref<512x28xf32, #tpu.memory_space<vmem>>[vector<16xi32>, vector<16xi32>], vector<16xf32>,
        %mul3A_801 = arith.constant 0 : i32
        %mul3A_802 = vector.broadcast %mul3A_801 : i32 to vector<16xi32>
        %mul3A_803 = arith.muli %iota3A, %mul3A_802 : vector<16xi32>
        %add3A_804 = arith.constant 17 : i32
        %add3A_805 = vector.broadcast %add3A_804 : i32 to vector<16xi32>
        %add3A_806 = arith.addi %mul3A_803, %add3A_805 : vector<16xi32>
        %gather3A_807 = tpu.vector_load_idx %arg7[%iota3A, %select_n3A_678, %add3A_806] : memref<16x8x28xf32, #tpu.memory_space<vmem>>[vector<16xi32>, vector<16xi32>, vector<16xi32>], vector<16xf32>,
        tpu.vector_store_idx %arg6[%add3A_682, %add3A_806], %gather3A_807 : memref<512x28xf32, #tpu.memory_space<vmem>>[vector<16xi32>, vector<16xi32>], vector<16xf32>,
        %mul3A_808 = arith.constant 0 : i32
        %mul3A_809 = vector.broadcast %mul3A_808 : i32 to vector<16xi32>
        %mul3A_810 = arith.muli %iota3A, %mul3A_809 : vector<16xi32>
        %add3A_811 = arith.constant 18 : i32
        %add3A_812 = vector.broadcast %add3A_811 : i32 to vector<16xi32>
        %add3A_813 = arith.addi %mul3A_810, %add3A_812 : vector<16xi32>
        %gather3A_814 = tpu.vector_load_idx %arg7[%iota3A, %select_n3A_678, %add3A_813] : memref<16x8x28xf32, #tpu.memory_space<vmem>>[vector<16xi32>, vector<16xi32>, vector<16xi32>], vector<16xf32>,
        tpu.vector_store_idx %arg6[%add3A_682, %add3A_813], %gather3A_814 : memref<512x28xf32, #tpu.memory_space<vmem>>[vector<16xi32>, vector<16xi32>], vector<16xf32>,
        %mul3A_815 = arith.constant 0 : i32
        %mul3A_816 = vector.broadcast %mul3A_815 : i32 to vector<16xi32>
        %mul3A_817 = arith.muli %iota3A, %mul3A_816 : vector<16xi32>
        %add3A_818 = arith.constant 19 : i32
        %add3A_819 = vector.broadcast %add3A_818 : i32 to vector<16xi32>
        %add3A_820 = arith.addi %mul3A_817, %add3A_819 : vector<16xi32>
        %gather3A_821 = tpu.vector_load_idx %arg7[%iota3A, %select_n3A_678, %add3A_820] : memref<16x8x28xf32, #tpu.memory_space<vmem>>[vector<16xi32>, vector<16xi32>, vector<16xi32>], vector<16xf32>,
        tpu.vector_store_idx %arg6[%add3A_682, %add3A_820], %gather3A_821 : memref<512x28xf32, #tpu.memory_space<vmem>>[vector<16xi32>, vector<16xi32>], vector<16xf32>,
        %mul3A_822 = arith.constant 0 : i32
        %mul3A_823 = vector.broadcast %mul3A_822 : i32 to vector<16xi32>
        %mul3A_824 = arith.muli %iota3A, %mul3A_823 : vector<16xi32>
        %add3A_825 = arith.constant 20 : i32
        %add3A_826 = vector.broadcast %add3A_825 : i32 to vector<16xi32>
        %add3A_827 = arith.addi %mul3A_824, %add3A_826 : vector<16xi32>
        %gather3A_828 = tpu.vector_load_idx %arg7[%iota3A, %select_n3A_678, %add3A_827] : memref<16x8x28xf32, #tpu.memory_space<vmem>>[vector<16xi32>, vector<16xi32>, vector<16xi32>], vector<16xf32>,
        tpu.vector_store_idx %arg6[%add3A_682, %add3A_827], %gather3A_828 : memref<512x28xf32, #tpu.memory_space<vmem>>[vector<16xi32>, vector<16xi32>], vector<16xf32>,
        %mul3A_829 = arith.constant 0 : i32
        %mul3A_830 = vector.broadcast %mul3A_829 : i32 to vector<16xi32>
        %mul3A_831 = arith.muli %iota3A, %mul3A_830 : vector<16xi32>
        %add3A_832 = arith.constant 21 : i32
        %add3A_833 = vector.broadcast %add3A_832 : i32 to vector<16xi32>
        %add3A_834 = arith.addi %mul3A_831, %add3A_833 : vector<16xi32>
        %gather3A_835 = tpu.vector_load_idx %arg7[%iota3A, %select_n3A_678, %add3A_834] : memref<16x8x28xf32, #tpu.memory_space<vmem>>[vector<16xi32>, vector<16xi32>, vector<16xi32>], vector<16xf32>,
        tpu.vector_store_idx %arg6[%add3A_682, %add3A_834], %gather3A_835 : memref<512x28xf32, #tpu.memory_space<vmem>>[vector<16xi32>, vector<16xi32>], vector<16xf32>,
        %mul3A_836 = arith.constant 0 : i32
        %mul3A_837 = vector.broadcast %mul3A_836 : i32 to vector<16xi32>
        %mul3A_838 = arith.muli %iota3A, %mul3A_837 : vector<16xi32>
        %add3A_839 = arith.constant 22 : i32
        %add3A_840 = vector.broadcast %add3A_839 : i32 to vector<16xi32>
        %add3A_841 = arith.addi %mul3A_838, %add3A_840 : vector<16xi32>
        %gather3A_842 = tpu.vector_load_idx %arg7[%iota3A, %select_n3A_678, %add3A_841] : memref<16x8x28xf32, #tpu.memory_space<vmem>>[vector<16xi32>, vector<16xi32>, vector<16xi32>], vector<16xf32>,
        tpu.vector_store_idx %arg6[%add3A_682, %add3A_841], %gather3A_842 : memref<512x28xf32, #tpu.memory_space<vmem>>[vector<16xi32>, vector<16xi32>], vector<16xf32>,
        %mul3A_843 = arith.constant 0 : i32
        %mul3A_844 = vector.broadcast %mul3A_843 : i32 to vector<16xi32>
        %mul3A_845 = arith.muli %iota3A, %mul3A_844 : vector<16xi32>
        %add3A_846 = arith.constant 23 : i32
        %add3A_847 = vector.broadcast %add3A_846 : i32 to vector<16xi32>
        %add3A_848 = arith.addi %mul3A_845, %add3A_847 : vector<16xi32>
        %gather3A_849 = tpu.vector_load_idx %arg7[%iota3A, %select_n3A_678, %add3A_848] : memref<16x8x28xf32, #tpu.memory_space<vmem>>[vector<16xi32>, vector<16xi32>, vector<16xi32>], vector<16xf32>,
        tpu.vector_store_idx %arg6[%add3A_682, %add3A_848], %gather3A_849 : memref<512x28xf32, #tpu.memory_space<vmem>>[vector<16xi32>, vector<16xi32>], vector<16xf32>,
        %mul3A_850 = arith.constant 0 : i32
        %mul3A_851 = vector.broadcast %mul3A_850 : i32 to vector<16xi32>
        %mul3A_852 = arith.muli %iota3A, %mul3A_851 : vector<16xi32>
        %add3A_853 = arith.constant 24 : i32
        %add3A_854 = vector.broadcast %add3A_853 : i32 to vector<16xi32>
        %add3A_855 = arith.addi %mul3A_852, %add3A_854 : vector<16xi32>
        %gather3A_856 = tpu.vector_load_idx %arg7[%iota3A, %select_n3A_678, %add3A_855] : memref<16x8x28xf32, #tpu.memory_space<vmem>>[vector<16xi32>, vector<16xi32>, vector<16xi32>], vector<16xf32>,
        tpu.vector_store_idx %arg6[%add3A_682, %add3A_855], %gather3A_856 : memref<512x28xf32, #tpu.memory_space<vmem>>[vector<16xi32>, vector<16xi32>], vector<16xf32>,
        %mul3A_857 = arith.constant 0 : i32
        %mul3A_858 = vector.broadcast %mul3A_857 : i32 to vector<16xi32>
        %mul3A_859 = arith.muli %iota3A, %mul3A_858 : vector<16xi32>
        %add3A_860 = arith.constant 25 : i32
        %add3A_861 = vector.broadcast %add3A_860 : i32 to vector<16xi32>
        %add3A_862 = arith.addi %mul3A_859, %add3A_861 : vector<16xi32>
        %gather3A_863 = tpu.vector_load_idx %arg7[%iota3A, %select_n3A_678, %add3A_862] : memref<16x8x28xf32, #tpu.memory_space<vmem>>[vector<16xi32>, vector<16xi32>, vector<16xi32>], vector<16xf32>,
        tpu.vector_store_idx %arg6[%add3A_682, %add3A_862], %gather3A_863 : memref<512x28xf32, #tpu.memory_space<vmem>>[vector<16xi32>, vector<16xi32>], vector<16xf32>,
        %mul3A_864 = arith.constant 0 : i32
        %mul3A_865 = vector.broadcast %mul3A_864 : i32 to vector<16xi32>
        %mul3A_866 = arith.muli %iota3A, %mul3A_865 : vector<16xi32>
        %add3A_867 = arith.constant 26 : i32
        %add3A_868 = vector.broadcast %add3A_867 : i32 to vector<16xi32>
        %add3A_869 = arith.addi %mul3A_866, %add3A_868 : vector<16xi32>
        %gather3A_870 = tpu.vector_load_idx %arg7[%iota3A, %select_n3A_678, %add3A_869] : memref<16x8x28xf32, #tpu.memory_space<vmem>>[vector<16xi32>, vector<16xi32>, vector<16xi32>], vector<16xf32>,
        tpu.vector_store_idx %arg6[%add3A_682, %add3A_869], %gather3A_870 : memref<512x28xf32, #tpu.memory_space<vmem>>[vector<16xi32>, vector<16xi32>], vector<16xf32>,
        %mul3A_871 = arith.constant 0 : i32
        %mul3A_872 = vector.broadcast %mul3A_871 : i32 to vector<16xi32>
        %mul3A_873 = arith.muli %iota3A, %mul3A_872 : vector<16xi32>
        %add3A_874 = arith.constant 27 : i32
        %add3A_875 = vector.broadcast %add3A_874 : i32 to vector<16xi32>
        %add3A_876 = arith.addi %mul3A_873, %add3A_875 : vector<16xi32>
        %gather3A_877 = tpu.vector_load_idx %arg7[%iota3A, %select_n3A_678, %add3A_876] : memref<16x8x28xf32, #tpu.memory_space<vmem>>[vector<16xi32>, vector<16xi32>, vector<16xi32>], vector<16xf32>,
        tpu.vector_store_idx %arg6[%add3A_682, %add3A_876], %gather3A_877 : memref<512x28xf32, #tpu.memory_space<vmem>>[vector<16xi32>, vector<16xi32>], vector<16xf32>,
        %scan3A_878 = arith.constant 0 : i32
        scf.yield %scan3A_878 : i32
      }
      %scan3A_52 = arith.constant 32 : i32
      "tpu.region"() ({
        %run_scoped3A = tpu.sem_alloc : memref<!tpu.dma_semaphore, #tpu.memory_space<semaphore_mem>>
        %dma_start3A = arith.constant 0 : i32
        %dma_start3A_54 = tpu.memref_slice %arg4[%select_n3A, %mul3A_43, %dma_start3A] : memref<26x16384x28xf32, #tpu.memory_space<hbm>> -> memref<1x512x28xf32, #tpu.memory_space<hbm>>
        %dma_start3A_55 = tpu.memref_squeeze %dma_start3A_54 : memref<1x512x28xf32, #tpu.memory_space<hbm>> -> memref<512x28xf32, #tpu.memory_space<hbm>>
        %dma_start3A_56 = arith.constant 0 : i32
        %dma_start3A_57 = tpu.memref_slice %arg4[%select_n3A, %mul3A_43, %dma_start3A_56] : memref<26x16384x28xf32, #tpu.memory_space<hbm>> -> memref<1x512x28xf32, #tpu.memory_space<hbm>>
        %dma_start3A_58 = tpu.memref_squeeze %dma_start3A_57 : memref<1x512x28xf32, #tpu.memory_space<hbm>> -> memref<512x28xf32, #tpu.memory_space<hbm>>
        tpu.enqueue_dma source(%arg6 : memref<512x28xf32, #tpu.memory_space<vmem>>) target(%dma_start3A_58 : memref<512x28xf32, #tpu.memory_space<hbm>>) target_semaphore(%run_scoped3A : memref<!tpu.dma_semaphore, #tpu.memory_space<semaphore_mem>>)
        %dma_wait3A = arith.constant 0 : i32
        %dma_wait3A_59 = tpu.memref_slice %arg4[%select_n3A, %mul3A_43, %dma_wait3A] : memref<26x16384x28xf32, #tpu.memory_space<hbm>> -> memref<1x512x28xf32, #tpu.memory_space<hbm>>
        %dma_wait3A_60 = tpu.memref_squeeze %dma_wait3A_59 : memref<1x512x28xf32, #tpu.memory_space<hbm>> -> memref<512x28xf32, #tpu.memory_space<hbm>>
        %dma_wait3A_61 = arith.constant 0 : i32
        %dma_wait3A_62 = tpu.memref_slice %arg4[%select_n3A, %mul3A_43, %dma_wait3A_61] : memref<26x16384x28xf32, #tpu.memory_space<hbm>> -> memref<1x512x28xf32, #tpu.memory_space<hbm>>
        %dma_wait3A_63 = tpu.memref_squeeze %dma_wait3A_62 : memref<1x512x28xf32, #tpu.memory_space<hbm>> -> memref<512x28xf32, #tpu.memory_space<hbm>>
        tpu.wait_dma2 semaphore(%run_scoped3A : memref<!tpu.dma_semaphore, #tpu.memory_space<semaphore_mem>>) src(%arg6 : memref<512x28xf32, #tpu.memory_space<vmem>>) dst(%dma_wait3A_63 : memref<512x28xf32, #tpu.memory_space<hbm>>)
        tpu.yield
      }) : () -> ()
      %scan3A_53 = arith.constant 0 : i32
      scf.yield %scan3A_53 : i32
    }
    %scan3A_6 = arith.constant 26 : i32
    return
  }
}

</mosaic_0001>

<sc_bundles>
// kernel: kernel.3.cloned.1.call-start
scs
__scs_entry_jumppad:
0x0: {  	(pc) =	sbr.rel $0x88, $3  }
0x1: {  	(tag) =	ssettag $0x0;
	lr =	simm.s32 $0x1  }
0x2: {  	[smem:$0x3F9E] =	sst lr;
	_ =	strace $0xD0000000  }
0x3: {  	_ = 	snop  }
0x4: {  	_ = 	snop  }
0x5: {  	_ = 	snop  }
0x6: {  	_ = 	snop  }
0x7: {  	_ = 	snop  }
__scs_overlays_trampoline_lowered:
0x8: {  	[smem:$0x3FAD] =	sst s0  }
0x9: {  	[smem:$0x3FAE] =	sst s1  }
0xa: {  	[smem:$0x3FAF] =	sst s2  }
0xb: {  	[smem:$0x3FB0] =	sst s3  }
0xc: {  	[smem:$0x3FB1] =	sst s4  }
0xd: {  	[smem:$0x3FB2] =	sst s5  }
0xe: {  	[smem:$0x3FB3] =	sst s6  }
0xf: {  	[smem:$0x3FB4] =	sst s7  }
0x10: {  	[smem:$0x3FB5] =	sst s8  }
0x11: {  	[smem:$0x3FB6] =	sst s9;
	s0 =	simm.s32 @!p0 $0x0  }
0x12: {  	s1 =	sld [smem:$0x3F9C];
	s0 =	simm.s32 @p0 $0x1  }
0x13: {  	[smem:$0x3FB7] =	sst s0;
	s0 =	simm.s32 @!p1 $0x0  }
0x14: {  	s2 =	sld [smem:$0x3F9B];
	s0 =	simm.s32 @p1 $0x1  }
0x15: {  	[smem:$0x3FB8] =	sst s0;
	s0 =	simm.s32 @!p2 $0x0  }
0x16: {  	s3 =	sld [smem:$0x3FDB];
	s0 =	simm.s32 @p2 $0x1  }
0x17: {  	s4 =	simm.s32 $0x1BF5;
	[smem:$0x3FBA] =	sst s0  }
0x18: {  	s0 =	sld [smem:$0x3F9D];
	_ =	swait.ge [sflag:s4], $0x0  }
0x19: {  	s7 =	sld [smem:$0x3F9E]  }
0x1a: {  	s8 =	sadd.s32 $0xFFFFE003, lr  }
0x1b: {  	s9 =	sadd.s32 $0xFFFFFEF7, lr;
	s5 =	simm.s32 $0xFFFFFFFF;
	p2 =	slt.u32 s8, $0xFFFFF086  }
0x1c: {  	p1 =	slt.u32 s9, $0xF7A;
	s5 =	simm.s32 @!p2 $0x0  }
0x1d: {  	s5 =	simm.s32 @p1 $0x1;
	p0 =	seq.s32 s7, s2  }
0x1e: {  	s7 =	smul.u32 @!p0 $0xF7A, s2;
	p2 =	seq.s32 @!p0 s5, $0x0  }
0x1f: {  	s9 =	smul.u32 $0xF7A, s1;
	s8 =	simm.s32 @!p0 $0x1BF5;
	p2 =	por !p2, p0  }
0x20: {  	[sflag:s8] =	ssyncset.s32 @!p0 $0xFFFFF086;
	s6 =	sadd.s32 @!p0 s3, s7;
	s7 =	simm.s32 @!p0 $0x108  }
0x21: {  	s3 =	sadd.s32 s3, s9;
	s6 =	sadd.s32 @!p0 $0x88, s6;
	s7 =	simm.s32 @p2 $0x1082  }
0x22: {  	[simem:s7], [sflag:s8] =	dma.local @!p0 [hbm:s6], $0xF7A  }
0x23: {  	s9 =	sor.u32 $0xD0000000, s2;
	s6 =	simm.s32 $0x108;
	_ =	swait.ge @!p0 [sflag:s8], $0x0  }
0x24: {  	s3 =	sadd.s32 $0x88, s3;
	s6 =	simm.s32 @!p1 $0x1082;
	[sflag:s4] =	ssyncset.s32 $0xFFFFF086  }
0x25: {  	[simem:s6], [sflag:s4] =	dma.local [hbm:s3], $0xF7A  }
0x26: {  	[smem:$0x3F9E] =	sst s1;
	(tag) =	ssettag s2;
	_ =	strace s9  }
0x27: {  	s1 =	sld [smem:$0x3FAE]  }
0x28: {  	s2 =	sld [smem:$0x3FAF]  }
0x29: {  	s4 =	sld [smem:$0x3FB1]  }
0x2a: {  	p0 =	seq.s32 s5, $0x0;
	s5 =	sld [smem:$0x3FB2]  }
0x2b: {  	s6 =	sld [smem:$0x3FB3]  }
0x2c: {  	s7 =	sld [smem:$0x3FB4]  }
0x2d: {  	s3 =	simm.s32 $0x108;
	s8 =	sld [smem:$0x3FB5]  }
0x2e: {  	s3 =	simm.s32 @!p0 $0x1082;
	s9 =	sld [smem:$0x3FB6]  }
0x2f: {  	lr =	sadd.s32 s0, s3;
	s0 =	sld [smem:$0x3FAD]  }
0x30: {  	s3 =	sld [smem:$0x3FB0]  }
0x31: {  	[smem:$0x3FB9] =	sst s10  }
0x32: {  	s10 =	sld [smem:$0x3FB7];
	_ =	sdelay $0x3  }
0x33: {  	p0 =	seq.s32 s10, $0x1;
	s10 =	sld [smem:$0x3FB9];
	_ =	sdelay $0x3  }
0x34: {  	[smem:$0x3FB9] =	sst s10  }
0x35: {  	s10 =	sld [smem:$0x3FB8];
	_ =	sdelay $0x3  }
0x36: {  	p1 =	seq.s32 s10, $0x1;
	s10 =	sld [smem:$0x3FB9];
	_ =	sdelay $0x3  }
0x37: {  	[smem:$0x3FB9] =	sst s10  }
0x38: {  	s10 =	sld [smem:$0x3FBA]  }
0x39: {  	_ = 	snop;
	(pc) =	sbr.ind lr, $3  }
0x3a: {  	_ = 	snop  }
0x3b: {  	_ = 	snop  }
0x3c: {  	p2 =	seq.s32 s10, $0x1;
	s10 =	sld [smem:$0x3FB9]  }
0x3d: {  	_ =	shalt  }
0x3e: {  	_ =	shalt  }
0x3f: {  	_ =	shalt  }
0x40: {  	_ =	shalt  }
0x41: {  	_ =	shalt  }
0x42: {  	_ =	shalt  }
0x43: {  	_ =	shalt  }
0x44: {  	_ =	shalt  }
0x45: {  	_ =	shalt  }
0x46: {  	_ =	shalt  }
0x47: {  	_ =	shalt  }
0x48: {  	_ =	shalt  }
0x49: {  	_ =	shalt  }
0x4a: {  	_ =	shalt  }
0x4b: {  	_ =	shalt  }
0x4c: {  	_ =	shalt  }
0x4d: {  	_ =	shalt  }
0x4e: {  	_ =	shalt  }
0x4f: {  	_ =	shalt  }
0x50: {  	_ =	shalt  }
0x51: {  	_ =	shalt  }
0x52: {  	_ =	shalt  }
0x53: {  	_ =	shalt  }
0x54: {  	_ =	shalt  }
0x55: {  	_ =	shalt  }
0x56: {  	_ =	shalt  }
0x57: {  	_ =	shalt  }
0x58: {  	_ =	shalt  }
0x59: {  	_ =	shalt  }
0x5a: {  	_ =	shalt  }
0x5b: {  	_ =	shalt  }
0x5c: {  	_ =	shalt  }
0x5d: {  	_ =	shalt  }
0x5e: {  	_ =	shalt  }
0x5f: {  	_ =	shalt  }
0x60: {  	_ =	shalt  }
0x61: {  	_ =	shalt  }
0x62: {  	_ =	shalt  }
0x63: {  	_ =	shalt  }
0x64: {  	_ =	shalt  }
0x65: {  	_ =	shalt  }
0x66: {  	_ =	shalt  }
0x67: {  	_ =	shalt  }
0x68: {  	_ =	shalt  }
0x69: {  	_ =	shalt  }
0x6a: {  	_ =	shalt  }
0x6b: {  	_ =	shalt  }
0x6c: {  	_ =	shalt  }
0x6d: {  	_ =	shalt  }
0x6e: {  	_ =	shalt  }
0x6f: {  	_ =	shalt  }
0x70: {  	_ =	shalt  }
0x71: {  	_ =	shalt  }
0x72: {  	_ =	shalt  }
0x73: {  	_ =	shalt  }
0x74: {  	_ =	shalt  }
0x75: {  	_ =	shalt  }
0x76: {  	_ =	shalt  }
0x77: {  	_ =	shalt  }
0x78: {  	_ =	shalt  }
0x79: {  	_ =	shalt  }
0x7a: {  	_ =	shalt  }
0x7b: {  	_ =	shalt  }
0x7c: {  	_ =	shalt  }
0x7d: {  	_ =	shalt  }
0x7e: {  	_ =	shalt  }
0x7f: {  	_ =	shalt  }
0x80: {  	_ =	shalt  }
0x81: {  	_ =	shalt  }
0x82: {  	_ =	shalt  }
0x83: {  	_ =	shalt  }
0x84: {  	_ =	shalt  }
0x85: {  	_ =	shalt  }
0x86: {  	_ =	shalt  }
0x87: {  	_ =	shalt  }
.Lfunc_end0:
.L_simem_size_0:
called_computation.1_lowered:
.L_overlay_start_0:
0x88: {  	s2 =	sld [smem:$0x3FD9]  }
0x89: {  	s3 =	sld [smem:$0x3FFE];
	_ =	sdelay $0x1  }
0x8a: {  	s1 =	srdreg.scid  }
0x8b: {  	s0 =	sand.u32 $0x1, s1  }
0x8c: {  	s17 =	sshll.u32 s0, $0xA;
	s2 =	sadd.s32 s3, s2  }
0x8d: {  	s2 =	sadd.s32 s2, s17  }
0x8e: {  	[smem:$0x3FC5] =	sst s2  }
0x8f: {  	_ = 	snop  }
0x90: {  	s2 =	sld [smem:$0x3FD0];
	(tm) =	ssettm $0x1  }
0x91: {  	s18 =	sld [smem:$0x3FFB];
	_ =	sdelay $0x3  }
0x92: {  	_ =	strace s18  }
0x93: {  	s3 =	sld [smem:$0x3FFC];
	_ =	sdelay $0x3  }
0x94: {  	_ =	strace s3  }
0x95: {  	s3 =	sld [smem:$0x3FFD];
	_ =	sdelay $0x3  }
0x96: {  	_ =	strace s3  }
0x97: {  	_ =	strace $0x8FFFFFFF  }
0x98: {  	s19 =	sld [smem:$0x3FDB];
	_ =	sdelay $0x1  }
0x99: {  	s4 =	simm.s32 $_scs_section_size  }
0x9a: {  	s5 =	simm.s32 $_size__tile_overlayer_lowered;
	s6 =	simm.s32 $_tile_overlayer_lowered  }
0x9b: {  	s22 =	simm.s32 $0x1BFF;
	s21 =	sshll.u32 s6, $0x1;
	s3 =	sadd.s32 s4, s19  }
0x9c: {  	s7 =	simm.s32 $0x0;
	s20 =	sshll.u32 s5, $0x1;
	s5 =	sadd.s32 s21, s3  }
0x9d: {  	[timem:s7], [sflag:s22] =	dma.local [hbm:s5], s20  }
0x9e: {  	_ =	swait.ge [sflag:s22], s20  }
0x9f: {  	s4 =	ssub.s32 $0x0, s20;
	[sflag:s22] =	ssyncset.done $0x0  }
0xa0: {  	[sflag:s22] =	ssyncadd.s32 s4;
	_ =	sdelay $0x1  }
0xa1: {  	s23 =	simm.s32 $0x1B8B  }
0xa2: {  	_ =	swait.ge [sflag:s23], $0x1  }
0xa3: {  	[sflag:s23] =	ssyncset.done $0x0  }
0xa4: {  	s25 =	simm.s32 $0x1B8E;
	s24 =	sld [smem:$0x3FFE];
	[sflag:s23] =	ssyncadd.s32 $0xFFFFFFFF  }
0xa5: {  	s26 =	simm.s32 $execute0_lowered;
	[smem:$0x3FD2] =	sst s25  }
0xa6: {  	s5 =	sshll.u32 s26, $0x1;
	_ =	strace $0x80000046;
	[dreg:$0x1] =	wrdreg $0xFFFFFFFF  }
0xa7: {  	s28 =	simm.s32 $_size_execute0_lowered;
	s3 =	sadd.s32 s3, s5;
	[dreg:$0x0] =	wrdreg $0x0  }
0xa8: {  	s5 =	sshll.u32 s28, $0x1;
	[dreg:$0x2] =	wrdreg s3  }
0xa9: {  	[dreg:$0x3] =	wrdreg s5  }
0xaa: {  	[dreg:$0x4] =	wrdreg $0xC0  }
0xab: {  	_ =	task [dreg:s7], $0x5FFFF  }
0xac: {  	[dreg:$0x1] =	wrdreg $0xFFFFFFFF  }
0xad: {  	[dreg:$0x0] =	wrdreg $0x60  }
0xae: {  	[dreg:$0x2] =	wrdreg s2  }
0xaf: {  	[dreg:$0x3] =	wrdreg s24  }
0xb0: {  	[dreg:$0x4] =	wrdreg $0x9  }
0xb1: {  	_ =	task.clear_ibuf [dreg:s7], $0x5FFFF;
	_ =	strace $0x90000046  }
0xb2: {  	s29 =	simm.s32 $0x9;
	_ =	strace $0x80000048  }
0xb3: {  	_ =	swait.ge [sflag:s29], $0x1  }
0xb4: {  	[sflag:s29] =	ssyncadd.s32 $0xFFFFFFFF  }
0xb5: {  	_ =	strace $0x90000048  }
0xb6: {  	_ =	sfence  }
0xb7: {  	s30 =	sld [smem:$0x0];
	_ =	sdelay $0x2  }
0xb8: {  	s31 =	sshll.u32 s1, $0xD;
	s1 =	sshrl.u32 s1, $0x2  }
0xb9: {  	s3 =	sand.u32 $0x4000, s31;
	s1 =	sadd.s32 s1, s30  }
0xba: {  	s0 =	sor.u32 s3, s0;
	s1 =	sshll.u32 s1, $0x11  }
0xbb: {  	s0 =	sor.u32 s1, s0  }
0xbc: {  	s0 =	sadd.s32 $0x8F2B, s0  }
0xbd: {  	[sflag:s0] =	ssyncadd.remote.s32 $0x1  }
0xbe: {  	_ =	sfence.sel $0xFFFF  }
0xbf: {  	[dreg:$0x0] =	wrdreg $0xFFFFFFFF;
	(pc) =	sbr.abs _section_cstart, $3  }
0xc0: {  	[dreg:$0x1] =	wrdreg $0xFFFFFFFF  }
0xc1: {  	_ =	task.clear_ibuf [dreg:s7], $0x2FFFF;
	_ =	strace $0x9FFFFFFF  }
0xc2: {  	(tm) =	ssettm $0x7FFFFFFF  }
0xc3: {  	_ =	shalt  }
tec
execute0_lowered:
.L_overlay_start_1:
0x0: {  	(tag) =	ssettag $0x1  }
0x1: {  	s1 =	rddreg [dreg:$0x0]  }
0x2: {  	s3 =	rddreg [dreg:$0x1]  }
0x3: {  	s0 =	rddreg [dreg:$0x2];
	s2 =	simm.s32 $0x0;
	s5 =	srdreg.scid  }
0x4: {  	s7 =	simm.s32 $0x10600;
	s24 =	simm.s32 $0x10A00;
	s25 =	simm.s32 $0x10E00  }
0x5: {  	s28 =	simm.s32 $0x11200;
	s29 =	simm.s32 $0x11600;
	s30 =	simm.s32 $0x11A00  }
0x6: {  	v2 =	vlaneseq.u32;
	s31 =	simm.s32 $0x11E00;
	[smem:$0x7FF] =	sst s2;
	s4 =	sadd.s32 $0xC00, s3  }
0x7: {  	s9 =	simm.s32 $0x12200;
	v0 =	vmul.u32 $0x400, v2;
	_ =	strace $0x80000047;
	[dreg:$0x3] =	wrdreg s4  }
0x8: {  	v1 =	vimm.s32 $0x0;
	s10 =	simm.s32 $0x12A00;
	s11 =	simm.s32 $0x12E00;
	v2 =	vmul.u32 $0x80, v2;
	[dreg:$0x5] =	wrdreg s7  }
0x9: {  	s12 =	simm.s32 $0x13200;
	s13 =	simm.s32 $0x13600;
	[dreg:$0x6] =	wrdreg s24;
	v3 =	vor.u32 $0x1, v0;
	v4 =	vor.u32 $0x2, v0;
	v5 =	vor.u32 $0x3, v0  }
0xa: {  	s14 =	simm.s32 $0x13A00;
	s15 =	simm.s32 $0x13E00;
	[dreg:$0x7] =	wrdreg s25;
	v6 =	vor.u32 $0x4, v0;
	v7 =	vor.u32 $0x5, v0;
	v8 =	vor.u32 $0x6, v0  }
0xb: {  	s16 =	simm.s32 $0x1;
	s17 =	simm.s32 $0x200;
	[dreg:$0x8] =	wrdreg s28;
	v9 =	vor.u32 $0x7, v0;
	v10 =	vor.u32 $0x8, v0;
	v11 =	vor.u32 $0x9, v0  }
0xc: {  	s18 =	simm.s32 $0x0;
	s5 =	sand.u32 $0x1, s5;
	[dreg:$0x9] =	wrdreg s29;
	v12 =	vor.u32 $0xA, v0;
	v13 =	vor.u32 $0xB, v0;
	v14 =	vor.u32 $0xC, v0  }
0xd: {  	s4 =	sadd.s32 $0x27ADE00, s3;
	s3 =	stileid.u32;
	[dreg:$0xa] =	wrdreg s30;
	v15 =	vor.u32 $0xD, v0;
	v16 =	vor.u32 $0xE, v0;
	v17 =	vor.u32 $0xF, v0  }
0xe: {  	s6 =	ssub.s32 $0x2, s5;
	s7 =	simm.s32 $0x2;
	[dreg:$0xb] =	wrdreg s31;
	v18 =	vor.u32 $0x10, v0;
	v19 =	vor.u32 $0x11, v0;
	v20 =	vor.u32 $0x12, v0  }
0xf: {  	[dreg:$0xc] =	wrdreg s9;
	s8 =	sshrl.u32 s6, $0x1;
	s26 =	sshll.u32 s3, $0x1;
	v21 =	vor.u32 $0x13, v0;
	v22 =	vor.u32 $0x14, v0;
	v23 =	vor.u32 $0x15, v0  }
0x10: {  	s9 =	simm.s32 $0x12600;
	v24 =	vor.u32 $0x16, v0;
	v25 =	vor.u32 $0x17, v0;
	v26 =	vor.u32 $0x18, v0;
	s6 =	ssub.s32 s6, s8;
	s5 =	sor.u32 s5, s26  }
0x11: {  	v27 =	vor.u32 $0x19, v0;
	v28 =	vor.u32 $0x1A, v0;
	v29 =	vor.u32 $0x1B, v0;
	s8 =	simm.s32 $0x10200;
	s5 =	smul.u32 $0x1A, s5;
	s6 =	smax.u32 s6, $0x1  }
.LBB2_1:
0x12: {  	s19 =	simm.s32 $0x0  }
.LBB2_2:
0x13: {  	s20 =	sadd.s32 s5, s19;
	s21 =	sshll.u32 s19, $0x6  }
0x14: {  	s22 =	sshll.u32 s20, $0x6;
	s21 =	sand.u32 $0x40, s21  }
0x15: {  	s22 =	sand.u32 $0xFFFFF80, s22;
	s21 =	sadd.s32 s1, s21  }
0x16: {  	s21 =	sadd.s32 s22, s21;
	s22 =	simm.s32 $0x0  }
0x17: {  	[tilespmem:s22], [sflag:$0x2] =	stream.linear.gather [hbm4b:s21+s22], $0x200, $0x38;
	[tilespmem:$0x14200] =	vst v63  }
0x18: {  	s26 =	sand.u32 $0x600, s22;
	_ =	swait.ge [sflag:s7], $0x200  }
0x19: {  	s23 =	sand.u32 $0x70, s22;
	s21 =	sshrl.u32 s26, $0x2;
	[sflag:s7] =	ssyncset.done $0x0  }
0x1a: {  	s21 =	sor.u32 s23, s21;
	[sflag:s7] =	ssyncadd.s32 $0xFFFFFE00  }
0x1b: {  	v30 =	vld [tilespmem:s21+$0x0];
	_ =	sdelay $0x4  }
0x1c: {  	v31 =	vshra.s32 v30, $0x1F  }
0x1d: {  	v31 =	vshrl.u32 v31, $0x1D  }
0x1e: {  	v31 =	vadd.s32 v31, v30  }
0x1f: {  	v31 =	vshra.s32 v31, $0x3  }
0x20: {  	v32 =	vshll.u32 v31, $0x3  }
0x21: {  	vm0 =	vlt.s32 v30, $0x1;
	vm1 =	vne.s32 v30, v32  }
0x22: {  	s21 =	sshrl.u32 s20, $0x5;
	vm0 =	vmand vm0, vm1  }
0x23: {  	s28 =	smul.u32 $0xC35400, s21;
	v33 =	vsel vm0, $0xFFFFFFFF, v1  }
0x24: {  	v31 =	vadd.s32 v33, v31  }
0x25: {  	[dreg:$0x4] =	wrdreg s28;
	v31 =	vshll.u32 v31, $0x3  }
0x26: {  	s23 =	rddreg [dreg:$0x4];
	v31 =	vshll.u32 v31, $0x7  }
0x27: {  	v31 =	vadd.s32 s23, v31  }
0x28: {  	s24 =	rddreg [dreg:$0x3];
	v31 =	vshrl.u32 v31, $0x3  }
0x29: {  	v31 =	vadd.s32 s24, v31  }
0x2a: {  	(v2sf) =	vpush v31, $0x0;
	_ =	sdelay $0x1  }
0x2b: {  	(v2sf) =	vpush v31, $0x1;
	_ =	sdelay $0x1  }
0x2c: {  	(v2sf) =	vpush v31, $0x2;
	_ =	sdelay $0x1  }
0x2d: {  	(v2sf) =	vpush v31, $0x3;
	_ =	sdelay $0x1  }
0x2e: {  	(v2sf) =	vpush v31, $0x4;
	_ =	sdelay $0x1  }
0x2f: {  	(v2sf) =	vpush v31, $0x5;
	_ =	sdelay $0x1  }
0x30: {  	(v2sf) =	vpush v31, $0x6;
	_ =	sdelay $0x1  }
0x31: {  	(v2sf) =	vpush v31, $0x7  }
0x32: {  	s30 =	spop (v2sf)  }
0x33: {  	(v2sf) =	vpush v31, $0x8;
	[tilespmem:s8], [sflag:$0x1] =	stream.linear.gather [hbm4b:s30+s2], $0x400, $0x38;
	[tilespmem:$0x14200] =	vst v63  }
0x34: {  	s29 =	rddreg [dreg:$0x5];
	s25 =	spop (v2sf)  }
0x35: {  	(v2sf) =	vpush v31, $0x9;
	[tilespmem:s29], [sflag:$0x1] =	stream.linear.gather [hbm4b:s25+s2], $0x400, $0x38;
	[tilespmem:$0x14200] =	vst v63  }
0x36: {  	s31 =	rddreg [dreg:$0x6];
	s28 =	spop (v2sf)  }
0x37: {  	(v2sf) =	vpush v31, $0xA;
	[tilespmem:s31], [sflag:$0x1] =	stream.linear.gather [hbm4b:s28+s2], $0x400, $0x38;
	[tilespmem:$0x14200] =	vst v63  }
0x38: {  	s26 =	rddreg [dreg:$0x7];
	s30 =	spop (v2sf)  }
0x39: {  	(v2sf) =	vpush v31, $0xB;
	[tilespmem:s26], [sflag:$0x1] =	stream.linear.gather [hbm4b:s30+s2], $0x400, $0x38;
	[tilespmem:$0x14200] =	vst v63  }
0x3a: {  	s29 =	rddreg [dreg:$0x8];
	s26 =	spop (v2sf)  }
0x3b: {  	(v2sf) =	vpush v31, $0xC;
	[tilespmem:s29], [sflag:$0x1] =	stream.linear.gather [hbm4b:s26+s2], $0x400, $0x38;
	[tilespmem:$0x14200] =	vst v63  }
0x3c: {  	s31 =	rddreg [dreg:$0x9];
	s29 =	spop (v2sf)  }
0x3d: {  	(v2sf) =	vpush v31, $0xD;
	[tilespmem:s31], [sflag:$0x1] =	stream.linear.gather [hbm4b:s29+s2], $0x400, $0x38;
	[tilespmem:$0x14200] =	vst v63  }
0x3e: {  	s28 =	rddreg [dreg:$0xa];
	s31 =	spop (v2sf)  }
0x3f: {  	(v2sf) =	vpush v31, $0xE;
	[tilespmem:s28], [sflag:$0x1] =	stream.linear.gather [hbm4b:s31+s2], $0x400, $0x38;
	[tilespmem:$0x14200] =	vst v63  }
0x40: {  	s30 =	rddreg [dreg:$0xb];
	s28 =	spop (v2sf)  }
0x41: {  	(v2sf) =	vpush v31, $0xF;
	[tilespmem:s30], [sflag:$0x1] =	stream.linear.gather [hbm4b:s28+s2], $0x400, $0x38;
	[tilespmem:$0x14200] =	vst v63  }
0x42: {  	s26 =	rddreg [dreg:$0xc];
	s29 =	spop (v2sf)  }
0x43: {  	[tilespmem:s26], [sflag:$0x1] =	stream.linear.gather [hbm4b:s29+s2], $0x400, $0x38;
	[tilespmem:$0x14200] =	vst v63  }
0x44: {  	s30 =	spop (v2sf)  }
0x45: {  	[tilespmem:s9], [sflag:$0x1] =	stream.linear.gather [hbm4b:s30+s2], $0x400, $0x38;
	[tilespmem:$0x14200] =	vst v63  }
0x46: {  	s31 =	spop (v2sf)  }
0x47: {  	[tilespmem:s10], [sflag:$0x1] =	stream.linear.gather [hbm4b:s31+s2], $0x400, $0x38;
	[tilespmem:$0x14200] =	vst v63  }
0x48: {  	s24 =	spop (v2sf)  }
0x49: {  	[tilespmem:s11], [sflag:$0x1] =	stream.linear.gather [hbm4b:s24+s2], $0x400, $0x38;
	[tilespmem:$0x14200] =	vst v63  }
0x4a: {  	s25 =	spop (v2sf)  }
0x4b: {  	[tilespmem:s12], [sflag:$0x1] =	stream.linear.gather [hbm4b:s25+s2], $0x400, $0x38;
	[tilespmem:$0x14200] =	vst v63  }
0x4c: {  	s26 =	spop (v2sf)  }
0x4d: {  	[tilespmem:s13], [sflag:$0x1] =	stream.linear.gather [hbm4b:s26+s2], $0x400, $0x38;
	[tilespmem:$0x14200] =	vst v63  }
0x4e: {  	s28 =	spop (v2sf)  }
0x4f: {  	[tilespmem:s14], [sflag:$0x1] =	stream.linear.gather [hbm4b:s28+s2], $0x400, $0x38;
	[tilespmem:$0x14200] =	vst v63  }
0x50: {  	s29 =	spop (v2sf)  }
0x51: {  	[tilespmem:s15], [sflag:$0x1] =	stream.linear.gather [hbm4b:s29+s2], $0x400, $0x38;
	[tilespmem:$0x14200] =	vst v63  }
0x52: {  	_ =	swait.ge [sflag:s16], $0x400  }
0x53: {  	[sflag:s16] =	ssyncset.done $0x0  }
0x54: {  	[sflag:s16] =	ssyncadd.s32 $0xFFFFFC00  }
0x55: {  	_ =	swait.ge [sflag:s16], $0x400  }
0x56: {  	[sflag:s16] =	ssyncset.done $0x0  }
0x57: {  	[sflag:s16] =	ssyncadd.s32 $0xFFFFFC00  }
0x58: {  	_ =	swait.ge [sflag:s16], $0x400  }
0x59: {  	[sflag:s16] =	ssyncset.done $0x0  }
0x5a: {  	[sflag:s16] =	ssyncadd.s32 $0xFFFFFC00  }
0x5b: {  	_ =	swait.ge [sflag:s16], $0x400  }
0x5c: {  	[sflag:s16] =	ssyncset.done $0x0  }
0x5d: {  	[sflag:s16] =	ssyncadd.s32 $0xFFFFFC00  }
0x5e: {  	_ =	swait.ge [sflag:s16], $0x400  }
0x5f: {  	[sflag:s16] =	ssyncset.done $0x0  }
0x60: {  	[sflag:s16] =	ssyncadd.s32 $0xFFFFFC00  }
0x61: {  	_ =	swait.ge [sflag:s16], $0x400  }
0x62: {  	[sflag:s16] =	ssyncset.done $0x0  }
0x63: {  	[sflag:s16] =	ssyncadd.s32 $0xFFFFFC00  }
0x64: {  	_ =	swait.ge [sflag:s16], $0x400  }
0x65: {  	[sflag:s16] =	ssyncset.done $0x0  }
0x66: {  	[sflag:s16] =	ssyncadd.s32 $0xFFFFFC00  }
0x67: {  	_ =	swait.ge [sflag:s16], $0x400  }
0x68: {  	[sflag:s16] =	ssyncset.done $0x0  }
0x69: {  	[sflag:s16] =	ssyncadd.s32 $0xFFFFFC00  }
0x6a: {  	_ =	swait.ge [sflag:s16], $0x400  }
0x6b: {  	[sflag:s16] =	ssyncset.done $0x0  }
0x6c: {  	[sflag:s16] =	ssyncadd.s32 $0xFFFFFC00  }
0x6d: {  	_ =	swait.ge [sflag:s16], $0x400  }
0x6e: {  	[sflag:s16] =	ssyncset.done $0x0  }
0x6f: {  	[sflag:s16] =	ssyncadd.s32 $0xFFFFFC00  }
0x70: {  	_ =	swait.ge [sflag:s16], $0x400  }
0x71: {  	[sflag:s16] =	ssyncset.done $0x0  }
0x72: {  	[sflag:s16] =	ssyncadd.s32 $0xFFFFFC00  }
0x73: {  	_ =	swait.ge [sflag:s16], $0x400  }
0x74: {  	[sflag:s16] =	ssyncset.done $0x0  }
0x75: {  	[sflag:s16] =	ssyncadd.s32 $0xFFFFFC00  }
0x76: {  	_ =	swait.ge [sflag:s16], $0x400  }
0x77: {  	[sflag:s16] =	ssyncset.done $0x0  }
0x78: {  	[sflag:s16] =	ssyncadd.s32 $0xFFFFFC00  }
0x79: {  	_ =	swait.ge [sflag:s16], $0x400  }
0x7a: {  	v30 =	vsub.s32 v30, v32;
	[sflag:s16] =	ssyncset.done $0x0  }
0x7b: {  	v30 =	vshll.u32 v30, $0x7;
	[sflag:s16] =	ssyncadd.s32 $0xFFFFFC00  }
0x7c: {  	v30 =	vand.u32 $0x380, v30;
	_ =	swait.ge [sflag:s16], $0x400  }
0x7d: {  	v31 =	vor.u32 v0, v30;
	[sflag:s16] =	ssyncset.done $0x0  }
0x7e: {  	[sflag:s16] =	ssyncadd.s32 $0xFFFFFC00  }
0x7f: {  	_ =	swait.ge [sflag:s16], $0x400  }
0x80: {  	v40 =	vmov s22;
	[sflag:s16] =	ssyncset.done $0x0  }
0x81: {  	v32 =	vshll.u32 v40, $0x7;
	[sflag:s16] =	ssyncadd.s32 $0xFFFFFC00  }
0x82: {  	v32 =	vor.u32 v2, v32;
	v31 =	vld.idx.msk [tilespmem:v31+s8+$0x0], $0xffff  }
0x83: {  	v41 =	vor.u32 v3, v30;
	_ =	sdelay $0x3  }
0x84: {  	[tilespmem:v32+s17+$0x0] =	vst.idx.msk $0xffff, v31  }
0x85: {  	v42 =	vor.u32 $0x1, v32;
	v31 =	vld.idx.msk [tilespmem:v41+s8+$0x0], $0xffff  }
0x86: {  	v34 =	vor.u32 v4, v30;
	_ =	sdelay $0x3  }
0x87: {  	[tilespmem:v42+s17+$0x0] =	vst.idx.msk $0xffff, v31  }
0x88: {  	v43 =	vor.u32 $0x2, v32;
	v31 =	vld.idx.msk [tilespmem:v34+s8+$0x0], $0xffff  }
0x89: {  	v44 =	vor.u32 v5, v30;
	_ =	sdelay $0x3  }
0x8a: {  	[tilespmem:v43+s17+$0x0] =	vst.idx.msk $0xffff, v31  }
0x8b: {  	v45 =	vor.u32 $0x3, v32;
	v31 =	vld.idx.msk [tilespmem:v44+s8+$0x0], $0xffff  }
0x8c: {  	v46 =	vor.u32 v6, v30;
	_ =	sdelay $0x3  }
0x8d: {  	[tilespmem:v45+s17+$0x0] =	vst.idx.msk $0xffff, v31  }
0x8e: {  	v47 =	vor.u32 $0x4, v32;
	v31 =	vld.idx.msk [tilespmem:v46+s8+$0x0], $0xffff  }
0x8f: {  	v48 =	vor.u32 v7, v30;
	_ =	sdelay $0x3  }
0x90: {  	[tilespmem:v47+s17+$0x0] =	vst.idx.msk $0xffff, v31  }
0x91: {  	v49 =	vor.u32 $0x5, v32;
	v31 =	vld.idx.msk [tilespmem:v48+s8+$0x0], $0xffff  }
0x92: {  	v50 =	vor.u32 v8, v30;
	_ =	sdelay $0x3  }
0x93: {  	[tilespmem:v49+s17+$0x0] =	vst.idx.msk $0xffff, v31  }
0x94: {  	v51 =	vor.u32 $0x6, v32;
	v31 =	vld.idx.msk [tilespmem:v50+s8+$0x0], $0xffff  }
0x95: {  	v52 =	vor.u32 v9, v30;
	_ =	sdelay $0x3  }
0x96: {  	[tilespmem:v51+s17+$0x0] =	vst.idx.msk $0xffff, v31  }
0x97: {  	v53 =	vor.u32 $0x7, v32;
	v31 =	vld.idx.msk [tilespmem:v52+s8+$0x0], $0xffff  }
0x98: {  	v54 =	vor.u32 v10, v30;
	_ =	sdelay $0x3  }
0x99: {  	[tilespmem:v53+s17+$0x0] =	vst.idx.msk $0xffff, v31  }
0x9a: {  	v55 =	vor.u32 $0x8, v32;
	v31 =	vld.idx.msk [tilespmem:v54+s8+$0x0], $0xffff  }
0x9b: {  	v56 =	vor.u32 v11, v30;
	_ =	sdelay $0x3  }
0x9c: {  	[tilespmem:v55+s17+$0x0] =	vst.idx.msk $0xffff, v31  }
0x9d: {  	v57 =	vor.u32 $0x9, v32;
	v31 =	vld.idx.msk [tilespmem:v56+s8+$0x0], $0xffff  }
0x9e: {  	v58 =	vor.u32 v12, v30;
	_ =	sdelay $0x3  }
0x9f: {  	[tilespmem:v57+s17+$0x0] =	vst.idx.msk $0xffff, v31  }
0xa0: {  	v59 =	vor.u32 $0xA, v32;
	v31 =	vld.idx.msk [tilespmem:v58+s8+$0x0], $0xffff  }
0xa1: {  	v60 =	vor.u32 v13, v30;
	_ =	sdelay $0x3  }
0xa2: {  	[tilespmem:v59+s17+$0x0] =	vst.idx.msk $0xffff, v31  }
0xa3: {  	v61 =	vor.u32 $0xB, v32;
	v31 =	vld.idx.msk [tilespmem:v60+s8+$0x0], $0xffff  }
0xa4: {  	v62 =	vor.u32 v14, v30;
	_ =	sdelay $0x3  }
0xa5: {  	[tilespmem:v61+s17+$0x0] =	vst.idx.msk $0xffff, v31  }
0xa6: {  	v63 =	vor.u32 $0xC, v32;
	v31 =	vld.idx.msk [tilespmem:v62+s8+$0x0], $0xffff  }
0xa7: {  	v36 =	vor.u32 v15, v30;
	_ =	sdelay $0x3  }
0xa8: {  	[tilespmem:v63+s17+$0x0] =	vst.idx.msk $0xffff, v31  }
0xa9: {  	v37 =	vor.u32 $0xD, v32;
	v31 =	vld.idx.msk [tilespmem:v36+s8+$0x0], $0xffff  }
0xaa: {  	v38 =	vor.u32 v16, v30;
	_ =	sdelay $0x3  }
0xab: {  	[tilespmem:v37+s17+$0x0] =	vst.idx.msk $0xffff, v31  }
0xac: {  	v39 =	vor.u32 $0xE, v32;
	v31 =	vld.idx.msk [tilespmem:v38+s8+$0x0], $0xffff  }
0xad: {  	v40 =	vor.u32 v17, v30;
	_ =	sdelay $0x3  }
0xae: {  	[tilespmem:v39+s17+$0x0] =	vst.idx.msk $0xffff, v31  }
0xaf: {  	v41 =	vor.u32 $0xF, v32;
	v31 =	vld.idx.msk [tilespmem:v40+s8+$0x0], $0xffff  }
0xb0: {  	v42 =	vor.u32 v18, v30;
	_ =	sdelay $0x3  }
0xb1: {  	[tilespmem:v41+s17+$0x0] =	vst.idx.msk $0xffff, v31  }
0xb2: {  	v43 =	vor.u32 $0x10, v32;
	v31 =	vld.idx.msk [tilespmem:v42+s8+$0x0], $0xffff  }
0xb3: {  	v44 =	vor.u32 v19, v30;
	_ =	sdelay $0x3  }
0xb4: {  	[tilespmem:v43+s17+$0x0] =	vst.idx.msk $0xffff, v31  }
0xb5: {  	v45 =	vor.u32 $0x11, v32;
	v31 =	vld.idx.msk [tilespmem:v44+s8+$0x0], $0xffff  }
0xb6: {  	v46 =	vor.u32 v20, v30;
	_ =	sdelay $0x3  }
0xb7: {  	[tilespmem:v45+s17+$0x0] =	vst.idx.msk $0xffff, v31  }
0xb8: {  	v47 =	vor.u32 $0x12, v32;
	v31 =	vld.idx.msk [tilespmem:v46+s8+$0x0], $0xffff  }
0xb9: {  	v48 =	vor.u32 v21, v30;
	_ =	sdelay $0x3  }
0xba: {  	[tilespmem:v47+s17+$0x0] =	vst.idx.msk $0xffff, v31  }
0xbb: {  	v49 =	vor.u32 $0x13, v32;
	v31 =	vld.idx.msk [tilespmem:v48+s8+$0x0], $0xffff  }
0xbc: {  	v50 =	vor.u32 v22, v30;
	_ =	sdelay $0x3  }
0xbd: {  	[tilespmem:v49+s17+$0x0] =	vst.idx.msk $0xffff, v31  }
0xbe: {  	v51 =	vor.u32 $0x14, v32;
	v31 =	vld.idx.msk [tilespmem:v50+s8+$0x0], $0xffff  }
0xbf: {  	v52 =	vor.u32 v23, v30;
	_ =	sdelay $0x3  }
0xc0: {  	[tilespmem:v51+s17+$0x0] =	vst.idx.msk $0xffff, v31  }
0xc1: {  	v53 =	vor.u32 $0x15, v32;
	v31 =	vld.idx.msk [tilespmem:v52+s8+$0x0], $0xffff  }
0xc2: {  	v54 =	vor.u32 v24, v30;
	_ =	sdelay $0x3  }
0xc3: {  	[tilespmem:v53+s17+$0x0] =	vst.idx.msk $0xffff, v31  }
0xc4: {  	v55 =	vor.u32 $0x16, v32;
	v31 =	vld.idx.msk [tilespmem:v54+s8+$0x0], $0xffff  }
0xc5: {  	v56 =	vor.u32 v25, v30;
	_ =	sdelay $0x3  }
0xc6: {  	[tilespmem:v55+s17+$0x0] =	vst.idx.msk $0xffff, v31  }
0xc7: {  	v57 =	vor.u32 $0x17, v32;
	v31 =	vld.idx.msk [tilespmem:v56+s8+$0x0], $0xffff  }
0xc8: {  	v58 =	vor.u32 v26, v30;
	_ =	sdelay $0x3  }
0xc9: {  	[tilespmem:v57+s17+$0x0] =	vst.idx.msk $0xffff, v31  }
0xca: {  	v59 =	vor.u32 $0x18, v32;
	v31 =	vld.idx.msk [tilespmem:v58+s8+$0x0], $0xffff  }
0xcb: {  	v60 =	vor.u32 v27, v30;
	_ =	sdelay $0x3  }
0xcc: {  	[tilespmem:v59+s17+$0x0] =	vst.idx.msk $0xffff, v31  }
0xcd: {  	v61 =	vor.u32 $0x19, v32;
	v31 =	vld.idx.msk [tilespmem:v60+s8+$0x0], $0xffff  }
0xce: {  	v62 =	vor.u32 v28, v30;
	_ =	sdelay $0x3  }
0xcf: {  	[tilespmem:v61+s17+$0x0] =	vst.idx.msk $0xffff, v31  }
0xd0: {  	v63 =	vor.u32 $0x1A, v32;
	v31 =	vld.idx.msk [tilespmem:v62+s8+$0x0], $0xffff  }
0xd1: {  	v30 =	vor.u32 v29, v30;
	_ =	sdelay $0x2  }
0xd2: {  	s30 =	simm.s32 $0x40  }
0xd3: {  	s22 =	simm.s32 $0x10;
	s31 =	sand.u32 $0x600, s30;
	[tilespmem:v63+s17+$0x0] =	vst.idx.msk $0xffff, v31  }
0xd4: {  	s23 =	simm.s32 $0x80;
	s24 =	sand.u32 $0x70, s22;
	s25 =	sshrl.u32 s31, $0x2;
	v31 =	vor.u32 $0x1B, v32;
	v30 =	vld.idx.msk [tilespmem:v30+s8+$0x0], $0xffff  }
.LBB2_3:
0xd5: {  	_ =	sdelay $0x3  }
0xd6: {  	s25 =	sor.u32 s24, s25;
	[tilespmem:v31+s17+$0x0] =	vst.idx.msk $0xffff, v30  }
0xd7: {  	v30 =	vld [tilespmem:s25+$0x0];
	_ =	sdelay $0x4  }
0xd8: {  	v31 =	vshra.s32 v30, $0x1F  }
0xd9: {  	v31 =	vshrl.u32 v31, $0x1D  }
0xda: {  	v31 =	vadd.s32 v31, v30  }
0xdb: {  	v31 =	vshra.s32 v31, $0x3  }
0xdc: {  	v32 =	vshll.u32 v31, $0x3  }
0xdd: {  	vm0 =	vlt.s32 v30, $0x1;
	vm1 =	vne.s32 v30, v32  }
0xde: {  	vm0 =	vmand vm0, vm1  }
0xdf: {  	v38 =	vsel vm0, $0xFFFFFFFF, v1  }
0xe0: {  	v31 =	vadd.s32 v38, v31  }
0xe1: {  	v31 =	vshll.u32 v31, $0x3  }
0xe2: {  	s28 =	rddreg [dreg:$0x4];
	v31 =	vshll.u32 v31, $0x7  }
0xe3: {  	v31 =	vadd.s32 s28, v31  }
0xe4: {  	s26 =	rddreg [dreg:$0x3];
	v31 =	vshrl.u32 v31, $0x3  }
0xe5: {  	v31 =	vadd.s32 s26, v31  }
0xe6: {  	(v2sf) =	vpush v31, $0x0;
	_ =	sdelay $0x1  }
0xe7: {  	(v2sf) =	vpush v31, $0x1;
	_ =	sdelay $0x1  }
0xe8: {  	(v2sf) =	vpush v31, $0x2;
	_ =	sdelay $0x1  }
0xe9: {  	(v2sf) =	vpush v31, $0x3;
	_ =	sdelay $0x1  }
0xea: {  	(v2sf) =	vpush v31, $0x4;
	_ =	sdelay $0x1  }
0xeb: {  	(v2sf) =	vpush v31, $0x5;
	_ =	sdelay $0x1  }
0xec: {  	(v2sf) =	vpush v31, $0x6;
	_ =	sdelay $0x1  }
0xed: {  	(v2sf) =	vpush v31, $0x7  }
0xee: {  	s30 =	spop (v2sf)  }
0xef: {  	(v2sf) =	vpush v31, $0x8;
	[tilespmem:s8], [sflag:$0x1] =	stream.linear.gather [hbm4b:s30+s2], $0x400, $0x38;
	[tilespmem:$0x14200] =	vst v63  }
0xf0: {  	s29 =	rddreg [dreg:$0x5];
	s28 =	spop (v2sf)  }
0xf1: {  	(v2sf) =	vpush v31, $0x9;
	[tilespmem:s29], [sflag:$0x1] =	stream.linear.gather [hbm4b:s28+s2], $0x400, $0x38;
	[tilespmem:$0x14200] =	vst v63  }
0xf2: {  	s31 =	rddreg [dreg:$0x6];
	s29 =	spop (v2sf)  }
0xf3: {  	(v2sf) =	vpush v31, $0xA;
	[tilespmem:s31], [sflag:$0x1] =	stream.linear.gather [hbm4b:s29+s2], $0x400, $0x38;
	[tilespmem:$0x14200] =	vst v63  }
0xf4: {  	s25 =	rddreg [dreg:$0x7];
	s31 =	spop (v2sf)  }
0xf5: {  	(v2sf) =	vpush v31, $0xB;
	[tilespmem:s25], [sflag:$0x1] =	stream.linear.gather [hbm4b:s31+s2], $0x400, $0x38;
	[tilespmem:$0x14200] =	vst v63  }
0xf6: {  	s30 =	rddreg [dreg:$0x8];
	s29 =	spop (v2sf)  }
0xf7: {  	(v2sf) =	vpush v31, $0xC;
	[tilespmem:s30], [sflag:$0x1] =	stream.linear.gather [hbm4b:s29+s2], $0x400, $0x38;
	[tilespmem:$0x14200] =	vst v63  }
0xf8: {  	s25 =	rddreg [dreg:$0x9];
	s31 =	spop (v2sf)  }
0xf9: {  	(v2sf) =	vpush v31, $0xD;
	[tilespmem:s25], [sflag:$0x1] =	stream.linear.gather [hbm4b:s31+s2], $0x400, $0x38;
	[tilespmem:$0x14200] =	vst v63  }
0xfa: {  	s30 =	rddreg [dreg:$0xa];
	s29 =	spop (v2sf)  }
0xfb: {  	(v2sf) =	vpush v31, $0xE;
	[tilespmem:s30], [sflag:$0x1] =	stream.linear.gather [hbm4b:s29+s2], $0x400, $0x38;
	[tilespmem:$0x14200] =	vst v63  }
0xfc: {  	s25 =	rddreg [dreg:$0xb];
	s31 =	spop (v2sf)  }
0xfd: {  	(v2sf) =	vpush v31, $0xF;
	[tilespmem:s25], [sflag:$0x1] =	stream.linear.gather [hbm4b:s31+s2], $0x400, $0x38;
	[tilespmem:$0x14200] =	vst v63  }
0xfe: {  	s30 =	rddreg [dreg:$0xc];
	s28 =	spop (v2sf)  }
0xff: {  	[tilespmem:s30], [sflag:$0x1] =	stream.linear.gather [hbm4b:s28+s2], $0x400, $0x38;
	[tilespmem:$0x14200] =	vst v63  }
0x100: {  	s29 =	spop (v2sf)  }
0x101: {  	[tilespmem:s9], [sflag:$0x1] =	stream.linear.gather [hbm4b:s29+s2], $0x400, $0x38;
	[tilespmem:$0x14200] =	vst v63  }
0x102: {  	s30 =	spop (v2sf)  }
0x103: {  	[tilespmem:s10], [sflag:$0x1] =	stream.linear.gather [hbm4b:s30+s2], $0x400, $0x38;
	[tilespmem:$0x14200] =	vst v63  }
0x104: {  	s31 =	spop (v2sf)  }
0x105: {  	[tilespmem:s11], [sflag:$0x1] =	stream.linear.gather [hbm4b:s31+s2], $0x400, $0x38;
	[tilespmem:$0x14200] =	vst v63  }
0x106: {  	s26 =	spop (v2sf)  }
0x107: {  	[tilespmem:s12], [sflag:$0x1] =	stream.linear.gather [hbm4b:s26+s2], $0x400, $0x38;
	[tilespmem:$0x14200] =	vst v63  }
0x108: {  	s28 =	spop (v2sf)  }
0x109: {  	[tilespmem:s13], [sflag:$0x1] =	stream.linear.gather [hbm4b:s28+s2], $0x400, $0x38;
	[tilespmem:$0x14200] =	vst v63  }
0x10a: {  	s29 =	spop (v2sf)  }
0x10b: {  	[tilespmem:s14], [sflag:$0x1] =	stream.linear.gather [hbm4b:s29+s2], $0x400, $0x38;
	[tilespmem:$0x14200] =	vst v63  }
0x10c: {  	s30 =	spop (v2sf)  }
0x10d: {  	[tilespmem:s15], [sflag:$0x1] =	stream.linear.gather [hbm4b:s30+s2], $0x400, $0x38;
	[tilespmem:$0x14200] =	vst v63  }
0x10e: {  	_ =	swait.ge [sflag:s16], $0x400  }
0x10f: {  	[sflag:s16] =	ssyncset.done $0x0  }
0x110: {  	[sflag:s16] =	ssyncadd.s32 $0xFFFFFC00  }
0x111: {  	_ =	swait.ge [sflag:s16], $0x400  }
0x112: {  	[sflag:s16] =	ssyncset.done $0x0  }
0x113: {  	[sflag:s16] =	ssyncadd.s32 $0xFFFFFC00  }
0x114: {  	_ =	swait.ge [sflag:s16], $0x400  }
0x115: {  	[sflag:s16] =	ssyncset.done $0x0  }
0x116: {  	[sflag:s16] =	ssyncadd.s32 $0xFFFFFC00  }
0x117: {  	_ =	swait.ge [sflag:s16], $0x400  }
0x118: {  	[sflag:s16] =	ssyncset.done $0x0  }
0x119: {  	[sflag:s16] =	ssyncadd.s32 $0xFFFFFC00  }
0x11a: {  	_ =	swait.ge [sflag:s16], $0x400  }
0x11b: {  	[sflag:s16] =	ssyncset.done $0x0  }
0x11c: {  	[sflag:s16] =	ssyncadd.s32 $0xFFFFFC00  }
0x11d: {  	_ =	swait.ge [sflag:s16], $0x400  }
0x11e: {  	[sflag:s16] =	ssyncset.done $0x0  }
0x11f: {  	[sflag:s16] =	ssyncadd.s32 $0xFFFFFC00  }
0x120: {  	_ =	swait.ge [sflag:s16], $0x400  }
0x121: {  	[sflag:s16] =	ssyncset.done $0x0  }
0x122: {  	[sflag:s16] =	ssyncadd.s32 $0xFFFFFC00  }
0x123: {  	_ =	swait.ge [sflag:s16], $0x400  }
0x124: {  	[sflag:s16] =	ssyncset.done $0x0  }
0x125: {  	[sflag:s16] =	ssyncadd.s32 $0xFFFFFC00  }
0x126: {  	_ =	swait.ge [sflag:s16], $0x400  }
0x127: {  	[sflag:s16] =	ssyncset.done $0x0  }
0x128: {  	[sflag:s16] =	ssyncadd.s32 $0xFFFFFC00  }
0x129: {  	_ =	swait.ge [sflag:s16], $0x400  }
0x12a: {  	[sflag:s16] =	ssyncset.done $0x0  }
0x12b: {  	[sflag:s16] =	ssyncadd.s32 $0xFFFFFC00  }
0x12c: {  	_ =	swait.ge [sflag:s16], $0x400  }
0x12d: {  	[sflag:s16] =	ssyncset.done $0x0  }
0x12e: {  	[sflag:s16] =	ssyncadd.s32 $0xFFFFFC00  }
0x12f: {  	_ =	swait.ge [sflag:s16], $0x400  }
0x130: {  	[sflag:s16] =	ssyncset.done $0x0  }
0x131: {  	[sflag:s16] =	ssyncadd.s32 $0xFFFFFC00  }
0x132: {  	_ =	swait.ge [sflag:s16], $0x400  }
0x133: {  	[sflag:s16] =	ssyncset.done $0x0  }
0x134: {  	[sflag:s16] =	ssyncadd.s32 $0xFFFFFC00  }
0x135: {  	_ =	swait.ge [sflag:s16], $0x400  }
0x136: {  	v33 =	vsub.s32 v30, v32;
	[sflag:s16] =	ssyncset.done $0x0  }
0x137: {  	v30 =	vshll.u32 v33, $0x7;
	[sflag:s16] =	ssyncadd.s32 $0xFFFFFC00  }
0x138: {  	v30 =	vand.u32 $0x380, v30;
	_ =	swait.ge [sflag:s16], $0x400  }
0x139: {  	v31 =	vor.u32 v0, v30;
	[sflag:s16] =	ssyncset.done $0x0  }
0x13a: {  	[sflag:s16] =	ssyncadd.s32 $0xFFFFFC00  }
0x13b: {  	_ =	swait.ge [sflag:s16], $0x400  }
0x13c: {  	v39 =	vmov s22;
	[sflag:s16] =	ssyncset.done $0x0  }
0x13d: {  	v32 =	vshll.u32 v39, $0x7;
	[sflag:s16] =	ssyncadd.s32 $0xFFFFFC00  }
0x13e: {  	v40 =	vld.idx.msk [tilespmem:v31+s8+$0x0], $0xffff;
	v31 =	vor.u32 v2, v32  }
0x13f: {  	v41 =	vor.u32 v3, v30;
	_ =	sdelay $0x3  }
0x140: {  	[tilespmem:v31+s17+$0x0] =	vst.idx.msk $0xffff, v40  }
0x141: {  	v42 =	vor.u32 $0x1, v31;
	v32 =	vld.idx.msk [tilespmem:v41+s8+$0x0], $0xffff  }
0x142: {  	v34 =	vor.u32 v4, v30;
	_ =	sdelay $0x3  }
0x143: {  	[tilespmem:v42+s17+$0x0] =	vst.idx.msk $0xffff, v32  }
0x144: {  	v43 =	vor.u32 $0x2, v31;
	v32 =	vld.idx.msk [tilespmem:v34+s8+$0x0], $0xffff  }
0x145: {  	v44 =	vor.u32 v5, v30;
	_ =	sdelay $0x3  }
0x146: {  	[tilespmem:v43+s17+$0x0] =	vst.idx.msk $0xffff, v32  }
0x147: {  	v45 =	vor.u32 $0x3, v31;
	v32 =	vld.idx.msk [tilespmem:v44+s8+$0x0], $0xffff  }
0x148: {  	v46 =	vor.u32 v6, v30;
	_ =	sdelay $0x3  }
0x149: {  	[tilespmem:v45+s17+$0x0] =	vst.idx.msk $0xffff, v32  }
0x14a: {  	v47 =	vor.u32 $0x4, v31;
	v32 =	vld.idx.msk [tilespmem:v46+s8+$0x0], $0xffff  }
0x14b: {  	v48 =	vor.u32 v7, v30;
	_ =	sdelay $0x3  }
0x14c: {  	[tilespmem:v47+s17+$0x0] =	vst.idx.msk $0xffff, v32  }
0x14d: {  	v49 =	vor.u32 $0x5, v31;
	v32 =	vld.idx.msk [tilespmem:v48+s8+$0x0], $0xffff  }
0x14e: {  	v50 =	vor.u32 v8, v30;
	_ =	sdelay $0x3  }
0x14f: {  	[tilespmem:v49+s17+$0x0] =	vst.idx.msk $0xffff, v32  }
0x150: {  	v51 =	vor.u32 $0x6, v31;
	v32 =	vld.idx.msk [tilespmem:v50+s8+$0x0], $0xffff  }
0x151: {  	v52 =	vor.u32 v9, v30;
	_ =	sdelay $0x3  }
0x152: {  	[tilespmem:v51+s17+$0x0] =	vst.idx.msk $0xffff, v32  }
0x153: {  	v53 =	vor.u32 $0x7, v31;
	v32 =	vld.idx.msk [tilespmem:v52+s8+$0x0], $0xffff  }
0x154: {  	v54 =	vor.u32 v10, v30;
	_ =	sdelay $0x3  }
0x155: {  	[tilespmem:v53+s17+$0x0] =	vst.idx.msk $0xffff, v32  }
0x156: {  	v55 =	vor.u32 $0x8, v31;
	v32 =	vld.idx.msk [tilespmem:v54+s8+$0x0], $0xffff  }
0x157: {  	v56 =	vor.u32 v11, v30;
	_ =	sdelay $0x3  }
0x158: {  	[tilespmem:v55+s17+$0x0] =	vst.idx.msk $0xffff, v32  }
0x159: {  	v57 =	vor.u32 $0x9, v31;
	v32 =	vld.idx.msk [tilespmem:v56+s8+$0x0], $0xffff  }
0x15a: {  	v58 =	vor.u32 v12, v30;
	_ =	sdelay $0x3  }
0x15b: {  	[tilespmem:v57+s17+$0x0] =	vst.idx.msk $0xffff, v32  }
0x15c: {  	v59 =	vor.u32 $0xA, v31;
	v32 =	vld.idx.msk [tilespmem:v58+s8+$0x0], $0xffff  }
0x15d: {  	v60 =	vor.u32 v13, v30;
	_ =	sdelay $0x3  }
0x15e: {  	[tilespmem:v59+s17+$0x0] =	vst.idx.msk $0xffff, v32  }
0x15f: {  	v61 =	vor.u32 $0xB, v31;
	v32 =	vld.idx.msk [tilespmem:v60+s8+$0x0], $0xffff  }
0x160: {  	v62 =	vor.u32 v14, v30;
	_ =	sdelay $0x3  }
0x161: {  	[tilespmem:v61+s17+$0x0] =	vst.idx.msk $0xffff, v32  }
0x162: {  	v63 =	vor.u32 $0xC, v31;
	v32 =	vld.idx.msk [tilespmem:v62+s8+$0x0], $0xffff  }
0x163: {  	v36 =	vor.u32 v15, v30;
	_ =	sdelay $0x3  }
0x164: {  	[tilespmem:v63+s17+$0x0] =	vst.idx.msk $0xffff, v32  }
0x165: {  	v37 =	vor.u32 $0xD, v31;
	v32 =	vld.idx.msk [tilespmem:v36+s8+$0x0], $0xffff  }
0x166: {  	v38 =	vor.u32 v16, v30;
	_ =	sdelay $0x3  }
0x167: {  	[tilespmem:v37+s17+$0x0] =	vst.idx.msk $0xffff, v32  }
0x168: {  	v39 =	vor.u32 $0xE, v31;
	v32 =	vld.idx.msk [tilespmem:v38+s8+$0x0], $0xffff  }
0x169: {  	v40 =	vor.u32 v17, v30;
	_ =	sdelay $0x3  }
0x16a: {  	[tilespmem:v39+s17+$0x0] =	vst.idx.msk $0xffff, v32  }
0x16b: {  	v41 =	vor.u32 $0xF, v31;
	v32 =	vld.idx.msk [tilespmem:v40+s8+$0x0], $0xffff  }
0x16c: {  	v42 =	vor.u32 v18, v30;
	_ =	sdelay $0x3  }
0x16d: {  	[tilespmem:v41+s17+$0x0] =	vst.idx.msk $0xffff, v32  }
0x16e: {  	v43 =	vor.u32 $0x10, v31;
	v32 =	vld.idx.msk [tilespmem:v42+s8+$0x0], $0xffff  }
0x16f: {  	v44 =	vor.u32 v19, v30;
	_ =	sdelay $0x3  }
0x170: {  	[tilespmem:v43+s17+$0x0] =	vst.idx.msk $0xffff, v32  }
0x171: {  	v45 =	vor.u32 $0x11, v31;
	v32 =	vld.idx.msk [tilespmem:v44+s8+$0x0], $0xffff  }
0x172: {  	v46 =	vor.u32 v20, v30;
	_ =	sdelay $0x3  }
0x173: {  	[tilespmem:v45+s17+$0x0] =	vst.idx.msk $0xffff, v32  }
0x174: {  	v47 =	vor.u32 $0x12, v31;
	v32 =	vld.idx.msk [tilespmem:v46+s8+$0x0], $0xffff  }
0x175: {  	v48 =	vor.u32 v21, v30;
	_ =	sdelay $0x3  }
0x176: {  	[tilespmem:v47+s17+$0x0] =	vst.idx.msk $0xffff, v32  }
0x177: {  	v49 =	vor.u32 $0x13, v31;
	v32 =	vld.idx.msk [tilespmem:v48+s8+$0x0], $0xffff  }
0x178: {  	v50 =	vor.u32 v22, v30;
	_ =	sdelay $0x3  }
0x179: {  	[tilespmem:v49+s17+$0x0] =	vst.idx.msk $0xffff, v32  }
0x17a: {  	v51 =	vor.u32 $0x14, v31;
	v32 =	vld.idx.msk [tilespmem:v50+s8+$0x0], $0xffff  }
0x17b: {  	v52 =	vor.u32 v23, v30;
	_ =	sdelay $0x3  }
0x17c: {  	[tilespmem:v51+s17+$0x0] =	vst.idx.msk $0xffff, v32  }
0x17d: {  	v53 =	vor.u32 $0x15, v31;
	v32 =	vld.idx.msk [tilespmem:v52+s8+$0x0], $0xffff  }
0x17e: {  	v54 =	vor.u32 v24, v30;
	_ =	sdelay $0x3  }
0x17f: {  	[tilespmem:v53+s17+$0x0] =	vst.idx.msk $0xffff, v32  }
0x180: {  	v55 =	vor.u32 $0x16, v31;
	v32 =	vld.idx.msk [tilespmem:v54+s8+$0x0], $0xffff  }
0x181: {  	v56 =	vor.u32 v25, v30;
	_ =	sdelay $0x3  }
0x182: {  	[tilespmem:v55+s17+$0x0] =	vst.idx.msk $0xffff, v32  }
0x183: {  	v57 =	vor.u32 $0x17, v31;
	v32 =	vld.idx.msk [tilespmem:v56+s8+$0x0], $0xffff  }
0x184: {  	v58 =	vor.u32 v26, v30;
	_ =	sdelay $0x3  }
0x185: {  	[tilespmem:v57+s17+$0x0] =	vst.idx.msk $0xffff, v32  }
0x186: {  	v59 =	vor.u32 $0x18, v31;
	v32 =	vld.idx.msk [tilespmem:v58+s8+$0x0], $0xffff  }
0x187: {  	v60 =	vor.u32 v27, v30;
	_ =	sdelay $0x3  }
0x188: {  	[tilespmem:v59+s17+$0x0] =	vst.idx.msk $0xffff, v32  }
0x189: {  	v61 =	vor.u32 $0x19, v31;
	v32 =	vld.idx.msk [tilespmem:v60+s8+$0x0], $0xffff  }
0x18a: {  	v62 =	vor.u32 v28, v30;
	_ =	sdelay $0x3  }
0x18b: {  	[tilespmem:v61+s17+$0x0] =	vst.idx.msk $0xffff, v32  }
0x18c: {  	v63 =	vor.u32 $0x1A, v31;
	v32 =	vld.idx.msk [tilespmem:v62+s8+$0x0], $0xffff  }
0x18d: {  	p0 =	sne.s32 s23, $0x7C0;
	v30 =	vor.u32 v29, v30  }
.Ltmp0:
0x18e: {  	_ = 	snop;
	(pc) =	sbr.rel @p0 .LBB2_3-.Ltmp0, $4  }
0x18f: {  	_ = 	snop  }
0x190: {  	s24 =	smov.u32 s23  }
0x191: {  	s22 =	sadd.s32 $0x10, s22;
	s31 =	sand.u32 $0x600, s24;
	[tilespmem:v63+s17+$0x0] =	vst.idx.msk $0xffff, v32  }
0x192: {  	s23 =	sadd.s32 $0x40, s23;
	s24 =	sand.u32 $0x70, s22;
	s25 =	sshrl.u32 s31, $0x2;
	v31 =	vor.u32 $0x1B, v31;
	v30 =	vld.idx.msk [tilespmem:v30+s8+$0x0], $0xffff  }
0x193: {  	_ =	sdelay $0x3  }
0x194: {  	s23 =	sor.u32 s24, s25;
	[tilespmem:v31+s17+$0x0] =	vst.idx.msk $0xffff, v30  }
0x195: {  	v30 =	vld [tilespmem:s23+$0x0];
	_ =	sdelay $0x4  }
0x196: {  	v31 =	vshra.s32 v30, $0x1F  }
0x197: {  	v31 =	vshrl.u32 v31, $0x1D  }
0x198: {  	v31 =	vadd.s32 v31, v30  }
0x199: {  	v31 =	vshra.s32 v31, $0x3  }
0x19a: {  	v32 =	vshll.u32 v31, $0x3  }
0x19b: {  	vm0 =	vlt.s32 v30, $0x1;
	vm1 =	vne.s32 v30, v32  }
0x19c: {  	vm0 =	vmand vm0, vm1  }
0x19d: {  	v33 =	vsel vm0, $0xFFFFFFFF, v1  }
0x19e: {  	v31 =	vadd.s32 v33, v31  }
0x19f: {  	v31 =	vshll.u32 v31, $0x3  }
0x1a0: {  	s29 =	rddreg [dreg:$0x4];
	v31 =	vshll.u32 v31, $0x7  }
0x1a1: {  	v31 =	vadd.s32 s29, v31  }
0x1a2: {  	s30 =	rddreg [dreg:$0x3];
	v31 =	vshrl.u32 v31, $0x3  }
0x1a3: {  	v31 =	vadd.s32 s30, v31  }
0x1a4: {  	(v2sf) =	vpush v31, $0x0;
	_ =	sdelay $0x1  }
0x1a5: {  	(v2sf) =	vpush v31, $0x1;
	_ =	sdelay $0x1  }
0x1a6: {  	(v2sf) =	vpush v31, $0x2;
	_ =	sdelay $0x1  }
0x1a7: {  	(v2sf) =	vpush v31, $0x3;
	_ =	sdelay $0x1  }
0x1a8: {  	(v2sf) =	vpush v31, $0x4;
	_ =	sdelay $0x1  }
0x1a9: {  	(v2sf) =	vpush v31, $0x5;
	_ =	sdelay $0x1  }
0x1aa: {  	(v2sf) =	vpush v31, $0x6;
	_ =	sdelay $0x1  }
0x1ab: {  	(v2sf) =	vpush v31, $0x7  }
0x1ac: {  	s25 =	spop (v2sf)  }
0x1ad: {  	(v2sf) =	vpush v31, $0x8;
	[tilespmem:s8], [sflag:$0x1] =	stream.linear.gather [hbm4b:s25+s2], $0x400, $0x38;
	[tilespmem:$0x14200] =	vst v63  }
0x1ae: {  	s31 =	rddreg [dreg:$0x5];
	s28 =	spop (v2sf)  }
0x1af: {  	(v2sf) =	vpush v31, $0x9;
	[tilespmem:s31], [sflag:$0x1] =	stream.linear.gather [hbm4b:s28+s2], $0x400, $0x38;
	[tilespmem:$0x14200] =	vst v63  }
0x1b0: {  	s26 =	rddreg [dreg:$0x6];
	s30 =	spop (v2sf)  }
0x1b1: {  	(v2sf) =	vpush v31, $0xA;
	[tilespmem:s26], [sflag:$0x1] =	stream.linear.gather [hbm4b:s30+s2], $0x400, $0x38;
	[tilespmem:$0x14200] =	vst v63  }
0x1b2: {  	s29 =	rddreg [dreg:$0x7];
	s26 =	spop (v2sf)  }
0x1b3: {  	(v2sf) =	vpush v31, $0xB;
	[tilespmem:s29], [sflag:$0x1] =	stream.linear.gather [hbm4b:s26+s2], $0x400, $0x38;
	[tilespmem:$0x14200] =	vst v63  }
0x1b4: {  	s31 =	rddreg [dreg:$0x8];
	s29 =	spop (v2sf)  }
0x1b5: {  	(v2sf) =	vpush v31, $0xC;
	[tilespmem:s31], [sflag:$0x1] =	stream.linear.gather [hbm4b:s29+s2], $0x400, $0x38;
	[tilespmem:$0x14200] =	vst v63  }
0x1b6: {  	s28 =	rddreg [dreg:$0x9];
	s31 =	spop (v2sf)  }
0x1b7: {  	(v2sf) =	vpush v31, $0xD;
	[tilespmem:s28], [sflag:$0x1] =	stream.linear.gather [hbm4b:s31+s2], $0x400, $0x38;
	[tilespmem:$0x14200] =	vst v63  }
0x1b8: {  	s30 =	rddreg [dreg:$0xa];
	s28 =	spop (v2sf)  }
0x1b9: {  	(v2sf) =	vpush v31, $0xE;
	[tilespmem:s30], [sflag:$0x1] =	stream.linear.gather [hbm4b:s28+s2], $0x400, $0x38;
	[tilespmem:$0x14200] =	vst v63  }
0x1ba: {  	s26 =	rddreg [dreg:$0xb];
	s30 =	spop (v2sf)  }
0x1bb: {  	(v2sf) =	vpush v31, $0xF;
	[tilespmem:s26], [sflag:$0x1] =	stream.linear.gather [hbm4b:s30+s2], $0x400, $0x38;
	[tilespmem:$0x14200] =	vst v63  }
0x1bc: {  	s29 =	rddreg [dreg:$0xc];
	s31 =	spop (v2sf)  }
0x1bd: {  	[tilespmem:s29], [sflag:$0x1] =	stream.linear.gather [hbm4b:s31+s2], $0x400, $0x38;
	[tilespmem:$0x14200] =	vst v63  }
0x1be: {  	s24 =	spop (v2sf)  }
0x1bf: {  	[tilespmem:s9], [sflag:$0x1] =	stream.linear.gather [hbm4b:s24+s2], $0x400, $0x38;
	[tilespmem:$0x14200] =	vst v63  }
0x1c0: {  	s25 =	spop (v2sf)  }
0x1c1: {  	[tilespmem:s10], [sflag:$0x1] =	stream.linear.gather [hbm4b:s25+s2], $0x400, $0x38;
	[tilespmem:$0x14200] =	vst v63  }
0x1c2: {  	s26 =	spop (v2sf)  }
0x1c3: {  	[tilespmem:s11], [sflag:$0x1] =	stream.linear.gather [hbm4b:s26+s2], $0x400, $0x38;
	[tilespmem:$0x14200] =	vst v63  }
0x1c4: {  	s28 =	spop (v2sf)  }
0x1c5: {  	[tilespmem:s12], [sflag:$0x1] =	stream.linear.gather [hbm4b:s28+s2], $0x400, $0x38;
	[tilespmem:$0x14200] =	vst v63  }
0x1c6: {  	s29 =	spop (v2sf)  }
0x1c7: {  	[tilespmem:s13], [sflag:$0x1] =	stream.linear.gather [hbm4b:s29+s2], $0x400, $0x38;
	[tilespmem:$0x14200] =	vst v63  }
0x1c8: {  	s30 =	spop (v2sf)  }
0x1c9: {  	[tilespmem:s14], [sflag:$0x1] =	stream.linear.gather [hbm4b:s30+s2], $0x400, $0x38;
	[tilespmem:$0x14200] =	vst v63  }
0x1ca: {  	s31 =	spop (v2sf)  }
0x1cb: {  	[tilespmem:s15], [sflag:$0x1] =	stream.linear.gather [hbm4b:s31+s2], $0x400, $0x38;
	[tilespmem:$0x14200] =	vst v63  }
0x1cc: {  	_ =	swait.ge [sflag:s16], $0x400  }
0x1cd: {  	[sflag:s16] =	ssyncset.done $0x0  }
0x1ce: {  	[sflag:s16] =	ssyncadd.s32 $0xFFFFFC00  }
0x1cf: {  	_ =	swait.ge [sflag:s16], $0x400  }
0x1d0: {  	[sflag:s16] =	ssyncset.done $0x0  }
0x1d1: {  	[sflag:s16] =	ssyncadd.s32 $0xFFFFFC00  }
0x1d2: {  	_ =	swait.ge [sflag:s16], $0x400  }
0x1d3: {  	[sflag:s16] =	ssyncset.done $0x0  }
0x1d4: {  	[sflag:s16] =	ssyncadd.s32 $0xFFFFFC00  }
0x1d5: {  	_ =	swait.ge [sflag:s16], $0x400  }
0x1d6: {  	[sflag:s16] =	ssyncset.done $0x0  }
0x1d7: {  	[sflag:s16] =	ssyncadd.s32 $0xFFFFFC00  }
0x1d8: {  	_ =	swait.ge [sflag:s16], $0x400  }
0x1d9: {  	[sflag:s16] =	ssyncset.done $0x0  }
0x1da: {  	[sflag:s16] =	ssyncadd.s32 $0xFFFFFC00  }
0x1db: {  	_ =	swait.ge [sflag:s16], $0x400  }
0x1dc: {  	[sflag:s16] =	ssyncset.done $0x0  }
0x1dd: {  	[sflag:s16] =	ssyncadd.s32 $0xFFFFFC00  }
0x1de: {  	_ =	swait.ge [sflag:s16], $0x400  }
0x1df: {  	[sflag:s16] =	ssyncset.done $0x0  }
0x1e0: {  	[sflag:s16] =	ssyncadd.s32 $0xFFFFFC00  }
0x1e1: {  	_ =	swait.ge [sflag:s16], $0x400  }
0x1e2: {  	[sflag:s16] =	ssyncset.done $0x0  }
0x1e3: {  	[sflag:s16] =	ssyncadd.s32 $0xFFFFFC00  }
0x1e4: {  	_ =	swait.ge [sflag:s16], $0x400  }
0x1e5: {  	[sflag:s16] =	ssyncset.done $0x0  }
0x1e6: {  	[sflag:s16] =	ssyncadd.s32 $0xFFFFFC00  }
0x1e7: {  	_ =	swait.ge [sflag:s16], $0x400  }
0x1e8: {  	[sflag:s16] =	ssyncset.done $0x0  }
0x1e9: {  	[sflag:s16] =	ssyncadd.s32 $0xFFFFFC00  }
0x1ea: {  	_ =	swait.ge [sflag:s16], $0x400  }
0x1eb: {  	[sflag:s16] =	ssyncset.done $0x0  }
0x1ec: {  	[sflag:s16] =	ssyncadd.s32 $0xFFFFFC00  }
0x1ed: {  	_ =	swait.ge [sflag:s16], $0x400  }
0x1ee: {  	[sflag:s16] =	ssyncset.done $0x0  }
0x1ef: {  	[sflag:s16] =	ssyncadd.s32 $0xFFFFFC00  }
0x1f0: {  	_ =	swait.ge [sflag:s16], $0x400  }
0x1f1: {  	[sflag:s16] =	ssyncset.done $0x0  }
0x1f2: {  	[sflag:s16] =	ssyncadd.s32 $0xFFFFFC00  }
0x1f3: {  	_ =	swait.ge [sflag:s16], $0x400  }
0x1f4: {  	v30 =	vsub.s32 v30, v32;
	[sflag:s16] =	ssyncset.done $0x0  }
0x1f5: {  	v30 =	vshll.u32 v30, $0x7;
	[sflag:s16] =	ssyncadd.s32 $0xFFFFFC00  }
0x1f6: {  	v30 =	vand.u32 $0x380, v30;
	_ =	swait.ge [sflag:s16], $0x400  }
0x1f7: {  	v31 =	vor.u32 v0, v30;
	[sflag:s16] =	ssyncset.done $0x0  }
0x1f8: {  	[sflag:s16] =	ssyncadd.s32 $0xFFFFFC00  }
0x1f9: {  	_ =	swait.ge [sflag:s16], $0x400  }
0x1fa: {  	v40 =	vmov s22;
	[sflag:s16] =	ssyncset.done $0x0  }
0x1fb: {  	v32 =	vshll.u32 v40, $0x7;
	[sflag:s16] =	ssyncadd.s32 $0xFFFFFC00  }
0x1fc: {  	v32 =	vor.u32 v2, v32;
	v31 =	vld.idx.msk [tilespmem:v31+s8+$0x0], $0xffff  }
0x1fd: {  	v41 =	vor.u32 v3, v30;
	_ =	sdelay $0x3  }
0x1fe: {  	[tilespmem:v32+s17+$0x0] =	vst.idx.msk $0xffff, v31  }
0x1ff: {  	v42 =	vor.u32 $0x1, v32;
	v31 =	vld.idx.msk [tilespmem:v41+s8+$0x0], $0xffff  }
0x200: {  	v34 =	vor.u32 v4, v30;
	_ =	sdelay $0x3  }
0x201: {  	[tilespmem:v42+s17+$0x0] =	vst.idx.msk $0xffff, v31  }
0x202: {  	v43 =	vor.u32 $0x2, v32;
	v31 =	vld.idx.msk [tilespmem:v34+s8+$0x0], $0xffff  }
0x203: {  	v44 =	vor.u32 v5, v30;
	_ =	sdelay $0x3  }
0x204: {  	[tilespmem:v43+s17+$0x0] =	vst.idx.msk $0xffff, v31  }
0x205: {  	v45 =	vor.u32 $0x3, v32;
	v31 =	vld.idx.msk [tilespmem:v44+s8+$0x0], $0xffff  }
0x206: {  	v46 =	vor.u32 v6, v30;
	_ =	sdelay $0x3  }
0x207: {  	[tilespmem:v45+s17+$0x0] =	vst.idx.msk $0xffff, v31  }
0x208: {  	v47 =	vor.u32 $0x4, v32;
	v31 =	vld.idx.msk [tilespmem:v46+s8+$0x0], $0xffff  }
0x209: {  	v48 =	vor.u32 v7, v30;
	_ =	sdelay $0x3  }
0x20a: {  	[tilespmem:v47+s17+$0x0] =	vst.idx.msk $0xffff, v31  }
0x20b: {  	v49 =	vor.u32 $0x5, v32;
	v31 =	vld.idx.msk [tilespmem:v48+s8+$0x0], $0xffff  }
0x20c: {  	v50 =	vor.u32 v8, v30;
	_ =	sdelay $0x3  }
0x20d: {  	[tilespmem:v49+s17+$0x0] =	vst.idx.msk $0xffff, v31  }
0x20e: {  	v51 =	vor.u32 $0x6, v32;
	v31 =	vld.idx.msk [tilespmem:v50+s8+$0x0], $0xffff  }
0x20f: {  	v52 =	vor.u32 v9, v30;
	_ =	sdelay $0x3  }
0x210: {  	[tilespmem:v51+s17+$0x0] =	vst.idx.msk $0xffff, v31  }
0x211: {  	v53 =	vor.u32 $0x7, v32;
	v31 =	vld.idx.msk [tilespmem:v52+s8+$0x0], $0xffff  }
0x212: {  	v54 =	vor.u32 v10, v30;
	_ =	sdelay $0x3  }
0x213: {  	[tilespmem:v53+s17+$0x0] =	vst.idx.msk $0xffff, v31  }
0x214: {  	v55 =	vor.u32 $0x8, v32;
	v31 =	vld.idx.msk [tilespmem:v54+s8+$0x0], $0xffff  }
0x215: {  	v56 =	vor.u32 v11, v30;
	_ =	sdelay $0x3  }
0x216: {  	[tilespmem:v55+s17+$0x0] =	vst.idx.msk $0xffff, v31  }
0x217: {  	v57 =	vor.u32 $0x9, v32;
	v31 =	vld.idx.msk [tilespmem:v56+s8+$0x0], $0xffff  }
0x218: {  	v58 =	vor.u32 v12, v30;
	_ =	sdelay $0x3  }
0x219: {  	[tilespmem:v57+s17+$0x0] =	vst.idx.msk $0xffff, v31  }
0x21a: {  	v59 =	vor.u32 $0xA, v32;
	v31 =	vld.idx.msk [tilespmem:v58+s8+$0x0], $0xffff  }
0x21b: {  	v60 =	vor.u32 v13, v30;
	_ =	sdelay $0x3  }
0x21c: {  	[tilespmem:v59+s17+$0x0] =	vst.idx.msk $0xffff, v31  }
0x21d: {  	v61 =	vor.u32 $0xB, v32;
	v31 =	vld.idx.msk [tilespmem:v60+s8+$0x0], $0xffff  }
0x21e: {  	v62 =	vor.u32 v14, v30;
	_ =	sdelay $0x3  }
0x21f: {  	[tilespmem:v61+s17+$0x0] =	vst.idx.msk $0xffff, v31  }
0x220: {  	v63 =	vor.u32 $0xC, v32;
	v31 =	vld.idx.msk [tilespmem:v62+s8+$0x0], $0xffff  }
0x221: {  	v36 =	vor.u32 v15, v30;
	_ =	sdelay $0x3  }
0x222: {  	[tilespmem:v63+s17+$0x0] =	vst.idx.msk $0xffff, v31  }
0x223: {  	v37 =	vor.u32 $0xD, v32;
	v31 =	vld.idx.msk [tilespmem:v36+s8+$0x0], $0xffff  }
0x224: {  	v38 =	vor.u32 v16, v30;
	_ =	sdelay $0x3  }
0x225: {  	[tilespmem:v37+s17+$0x0] =	vst.idx.msk $0xffff, v31  }
0x226: {  	v39 =	vor.u32 $0xE, v32;
	v31 =	vld.idx.msk [tilespmem:v38+s8+$0x0], $0xffff  }
0x227: {  	v40 =	vor.u32 v17, v30;
	_ =	sdelay $0x3  }
0x228: {  	[tilespmem:v39+s17+$0x0] =	vst.idx.msk $0xffff, v31  }
0x229: {  	v41 =	vor.u32 $0xF, v32;
	v31 =	vld.idx.msk [tilespmem:v40+s8+$0x0], $0xffff  }
0x22a: {  	v42 =	vor.u32 v18, v30;
	_ =	sdelay $0x3  }
0x22b: {  	[tilespmem:v41+s17+$0x0] =	vst.idx.msk $0xffff, v31  }
0x22c: {  	v43 =	vor.u32 $0x10, v32;
	v31 =	vld.idx.msk [tilespmem:v42+s8+$0x0], $0xffff  }
0x22d: {  	v44 =	vor.u32 v19, v30;
	_ =	sdelay $0x3  }
0x22e: {  	[tilespmem:v43+s17+$0x0] =	vst.idx.msk $0xffff, v31  }
0x22f: {  	v45 =	vor.u32 $0x11, v32;
	v31 =	vld.idx.msk [tilespmem:v44+s8+$0x0], $0xffff  }
0x230: {  	v46 =	vor.u32 v20, v30;
	_ =	sdelay $0x3  }
0x231: {  	[tilespmem:v45+s17+$0x0] =	vst.idx.msk $0xffff, v31  }
0x232: {  	v47 =	vor.u32 $0x12, v32;
	v31 =	vld.idx.msk [tilespmem:v46+s8+$0x0], $0xffff  }
0x233: {  	v48 =	vor.u32 v21, v30;
	_ =	sdelay $0x3  }
0x234: {  	[tilespmem:v47+s17+$0x0] =	vst.idx.msk $0xffff, v31  }
0x235: {  	v49 =	vor.u32 $0x13, v32;
	v31 =	vld.idx.msk [tilespmem:v48+s8+$0x0], $0xffff  }
0x236: {  	v50 =	vor.u32 v22, v30;
	_ =	sdelay $0x3  }
0x237: {  	[tilespmem:v49+s17+$0x0] =	vst.idx.msk $0xffff, v31  }
0x238: {  	v51 =	vor.u32 $0x14, v32;
	v31 =	vld.idx.msk [tilespmem:v50+s8+$0x0], $0xffff  }
0x239: {  	v52 =	vor.u32 v23, v30;
	_ =	sdelay $0x3  }
0x23a: {  	[tilespmem:v51+s17+$0x0] =	vst.idx.msk $0xffff, v31  }
0x23b: {  	v53 =	vor.u32 $0x15, v32;
	v31 =	vld.idx.msk [tilespmem:v52+s8+$0x0], $0xffff  }
0x23c: {  	v54 =	vor.u32 v24, v30;
	_ =	sdelay $0x3  }
0x23d: {  	[tilespmem:v53+s17+$0x0] =	vst.idx.msk $0xffff, v31  }
0x23e: {  	v55 =	vor.u32 $0x16, v32;
	v31 =	vld.idx.msk [tilespmem:v54+s8+$0x0], $0xffff  }
0x23f: {  	v56 =	vor.u32 v25, v30;
	_ =	sdelay $0x3  }
0x240: {  	[tilespmem:v55+s17+$0x0] =	vst.idx.msk $0xffff, v31  }
0x241: {  	v57 =	vor.u32 $0x17, v32;
	v31 =	vld.idx.msk [tilespmem:v56+s8+$0x0], $0xffff  }
0x242: {  	v58 =	vor.u32 v26, v30;
	_ =	sdelay $0x3  }
0x243: {  	[tilespmem:v57+s17+$0x0] =	vst.idx.msk $0xffff, v31  }
0x244: {  	v59 =	vor.u32 $0x18, v32;
	v31 =	vld.idx.msk [tilespmem:v58+s8+$0x0], $0xffff  }
0x245: {  	v60 =	vor.u32 v27, v30;
	_ =	sdelay $0x3  }
0x246: {  	[tilespmem:v59+s17+$0x0] =	vst.idx.msk $0xffff, v31  }
0x247: {  	v61 =	vor.u32 $0x19, v32;
	v31 =	vld.idx.msk [tilespmem:v60+s8+$0x0], $0xffff  }
0x248: {  	v62 =	vor.u32 v28, v30;
	_ =	sdelay $0x3  }
0x249: {  	[tilespmem:v61+s17+$0x0] =	vst.idx.msk $0xffff, v31  }
0x24a: {  	v63 =	vor.u32 $0x1A, v32;
	v31 =	vld.idx.msk [tilespmem:v62+s8+$0x0], $0xffff  }
0x24b: {  	v30 =	vor.u32 v29, v30;
	_ =	sdelay $0x3  }
0x24c: {  	[tilespmem:v63+s17+$0x0] =	vst.idx.msk $0xffff, v31  }
0x24d: {  	v31 =	vor.u32 $0x1B, v32;
	v30 =	vld.idx.msk [tilespmem:v30+s8+$0x0], $0xffff;
	_ =	sdelay $0x1  }
0x24e: {  	s20 =	sshll.u32 s20, $0xD  }
0x24f: {  	s19 =	sadd.s32 $0x1, s19;
	s20 =	sand.u32 $0x3E000, s20  }
0x250: {  	s21 =	sshll.u32 s21, $0x12;
	p0 =	sne.s32 s19, $0x1A;
	s20 =	sadd.s32 s4, s20  }
.Ltmp1:
0x251: {  	s20 =	sadd.s32 s21, s20;
	[tilespmem:v31+s17+$0x0] =	vst.idx.msk $0xffff, v30;
	(pc) =	sbr.rel @p0 .LBB2_2-.Ltmp1, $4  }
0x252: {  	[hbm4b:s20+s2] =	stream.linear.scatter [tilespmem:s17], [sflag:$0x2], $0x10000, $0x38;
	[tilespmem:$0x14200] =	vst v63  }
0x253: {  	_ =	swait.ge [sflag:s7], $0x10000  }
0x254: {  	[sflag:s7] =	ssyncset.done $0x0  }
0x255: {  	[sflag:s7] =	ssyncadd.s32 $0xFFFF0000  }
0x256: {  	s18 =	sadd.s32 $0x1, s18  }
0x257: {  	p0 =	sne.s32 s18, s6  }
.Ltmp2:
0x258: {  	_ = 	snop;
	(pc) =	sbr.rel @p0 .LBB2_1-.Ltmp2, $1  }
0x259: {  	_ =	sdelay $0x3  }
0x25a: {  	_ =	sfence.sel $0x180000  }
0x25b: {  	[bflag:$0x0] =	sbarrier.arrive $0xFFFF  }
0x25c: {  	p0 =	sne.s32 s3, $0x0;
	_ =	strace $0x90000047  }
0x25d: {  	s0 =	sadd.s32 @!p0 $0x100000, s0;
	[bflag:$0x2] =	sbarrier.arrive $0xFFFF  }
0x25e: {  	[sflag:s0] =	ssyncadd.tile.s32 @!p0 $0x1;
	_ =	shalt  }
.Lfunc_end2:
_tile_overlayer_lowered:
.L_overlay_start_2:
0x25f: {  	(tag) =	ssettag $0x2  }
0x260: {  	s0 =	rddreg [dreg:$0x0];
	s2 =	stileid.u32  }
0x261: {  	s1 =	rddreg [dreg:$0x1];
	p0 =	sne.s32 s2, $0x0  }
0x262: {  	s3 =	rddreg [dreg:$0x2];
	[bflag:$0x3] =	sbarrier.arrive $0xFFFF;
	s2 =	simm.s32 @!p0 $0x1C02  }
0x263: {  	[timem:s3], [sflag:s2] =	dma.local @!p0 [hbm:s0], s1  }
0x264: {  	s0 =	simm.s32 @!p0 $0x2  }
0x265: {  	_ =	swait.ge @!p0 [sflag:s0], s1  }
0x266: {  	s1 =	ssub.s32 @!p0 $0x0, s1;
	[sflag:s0] =	ssyncset.done @!p0 $0x0  }
0x267: {  	[sflag:s0] =	ssyncadd.s32 @!p0 s1  }
0x268: {  	[bflag:$0x3] =	sbarrier.arrive $0xFFFF  }
0x269: {  	_ =	shalt  }

// kernel: sparse-core-data-format-call.cloned.1.call-start
scs
called_computation_lowered:
.L_overlay_start_0:
0x0: {  	s1 =	sld [smem:$0x3FD9]  }
0x1: {  	s2 =	sld [smem:$0x3FFE];
	_ =	sdelay $0x1  }
0x2: {  	s3 =	srdreg.scid  }
0x3: {  	s0 =	sand.u32 $0x1, s3  }
0x4: {  	s17 =	sshll.u32 s0, $0xA;
	s1 =	sadd.s32 s2, s1  }
0x5: {  	s1 =	sadd.s32 s1, s17  }
0x6: {  	[smem:$0x3FC5] =	sst s1  }
0x7: {  	_ = 	snop  }
0x8: {  	(tm) =	ssettm $0x1  }
0x9: {  	s18 =	sld [smem:$0x3FFB];
	_ =	sdelay $0x3  }
0xa: {  	_ =	strace s18  }
0xb: {  	s1 =	sld [smem:$0x3FFC];
	_ =	sdelay $0x3  }
0xc: {  	_ =	strace s1  }
0xd: {  	s1 =	sld [smem:$0x3FFD];
	_ =	sdelay $0x3  }
0xe: {  	_ =	strace s1  }
0xf: {  	_ =	strace $0x8FFFFFFF  }
0x10: {  	s19 =	sld [smem:$0x3FDB];
	_ =	sdelay $0x1  }
0x11: {  	s20 =	simm.s32 $_scs_section_size  }
0x12: {  	s4 =	simm.s32 $_size__tile_overlayer_lowered;
	s5 =	simm.s32 $_tile_overlayer_lowered  }
0x13: {  	s23 =	simm.s32 $0x1BFF;
	s22 =	sshll.u32 s5, $0x1;
	s1 =	sadd.s32 s20, s19  }
0x14: {  	s6 =	simm.s32 $0x0;
	s21 =	sshll.u32 s4, $0x1;
	s4 =	sadd.s32 s22, s1  }
0x15: {  	[timem:s6], [sflag:s23] =	dma.local [hbm:s4], s21  }
0x16: {  	_ =	swait.ge [sflag:s23], s21  }
0x17: {  	s2 =	ssub.s32 $0x0, s21;
	[sflag:s23] =	ssyncset.done $0x0  }
0x18: {  	[sflag:s23] =	ssyncadd.s32 s2;
	_ =	sdelay $0x1  }
0x19: {  	s24 =	simm.s32 $0x1B8B  }
0x1a: {  	_ =	swait.ge [sflag:s24], $0x1  }
0x1b: {  	[sflag:s24] =	ssyncset.done $0x0  }
0x1c: {  	s26 =	simm.s32 $0x1B8E;
	s25 =	sld [smem:$0x3FFE];
	[sflag:s24] =	ssyncadd.s32 $0xFFFFFFFF  }
0x1d: {  	s27 =	simm.s32 $execute0_lowered;
	[smem:$0x3FD2] =	sst s26  }
0x1e: {  	s4 =	sshll.u32 s27, $0x1;
	_ =	strace $0x80000049;
	[dreg:$0x1] =	wrdreg $0xFFFFFFFF  }
0x1f: {  	s28 =	simm.s32 $_size_execute0_lowered;
	s1 =	sadd.s32 s1, s4;
	[dreg:$0x0] =	wrdreg $0x0  }
0x20: {  	s4 =	sshll.u32 s28, $0x1;
	[dreg:$0x2] =	wrdreg s1  }
0x21: {  	[dreg:$0x3] =	wrdreg s4  }
0x22: {  	[dreg:$0x4] =	wrdreg $0xC0  }
0x23: {  	_ =	task [dreg:s6], $0x5FFFF  }
0x24: {  	[dreg:$0x1] =	wrdreg $0xFFFFFFFF  }
0x25: {  	[dreg:$0x0] =	wrdreg $0x60  }
0x26: {  	[dreg:$0x2] =	wrdreg s25  }
0x27: {  	[dreg:$0x3] =	wrdreg $0x9  }
0x28: {  	_ =	task.clear_ibuf [dreg:s6], $0x4FFFF;
	_ =	strace $0x90000049  }
0x29: {  	s29 =	simm.s32 $0x9;
	_ =	strace $0x8000004B  }
0x2a: {  	_ =	swait.ge [sflag:s29], $0x1  }
0x2b: {  	[sflag:s29] =	ssyncadd.s32 $0xFFFFFFFF  }
0x2c: {  	_ =	strace $0x9000004B  }
0x2d: {  	_ =	sfence  }
0x2e: {  	s30 =	sld [smem:$0x0];
	_ =	sdelay $0x2  }
0x2f: {  	s31 =	sshll.u32 s3, $0xD;
	s3 =	sshrl.u32 s3, $0x2  }
0x30: {  	s2 =	sand.u32 $0x4000, s31;
	s1 =	sadd.s32 s3, s30  }
0x31: {  	s0 =	sor.u32 s2, s0;
	s1 =	sshll.u32 s1, $0x11  }
0x32: {  	s0 =	sor.u32 s1, s0  }
0x33: {  	s0 =	sadd.s32 $0x8F2B, s0  }
0x34: {  	[sflag:s0] =	ssyncadd.remote.s32 $0x1  }
0x35: {  	_ =	sfence.sel $0xFFFF  }
0x36: {  	[dreg:$0x0] =	wrdreg $0xFFFFFFFF;
	(pc) =	sbr.abs _section_cstart, $3  }
0x37: {  	[dreg:$0x1] =	wrdreg $0xFFFFFFFF  }
0x38: {  	_ =	task.clear_ibuf [dreg:s6], $0x2FFFF;
	_ =	strace $0x9FFFFFFF  }
0x39: {  	(tm) =	ssettm $0x7FFFFFFF  }
tec
execute0_lowered:
.L_overlay_start_1:
0x0: {  	(tag) =	ssettag $0x1  }
0x1: {  	s0 =	srdreg.scid  }
0x2: {  	s1 =	sshll.u32 s0, $0x4  }
0x3: {  	s0 =	stileid.u32;
	s1 =	sand.u32 $0x10, s1  }
0x4: {  	s7 =	rddreg [dreg:$0x0];
	s1 =	sor.u32 s0, s1  }
0x5: {  	s4 =	simm.s32 $0x1;
	s8 =	simm.s32 $0x2;
	s2 =	sshll.u32 s1, $0x7  }
0x6: {  	s13 =	simm.s32 $0x0;
	s9 =	simm.s32 $0x20000;
	s3 =	ssub.s32 $0x4000, s2  }
0x7: {  	s14 =	simm.s32 $0x0;
	s11 =	simm.s32 $0x0;
	s31 =	sand.u32 $0xF80, s3  }
0x8: {  	s12 =	simm.s32 $0x0;
	s6 =	sadd.s32 $0xC00, s7;
	p0 =	sne.s32 s31, $0x0  }
.Ltmp0:
0x9: {  	s3 =	sshrl.u32 s3, $0xC;
	s4 =	simm.s32 @!p0 $0x0;
	(pc) =	sbr.rel .LBB1_1-.Ltmp0, $4  }
0xa: {  	s1 =	rddreg [dreg:$0x1];
	_ =	strace $0x8000004A;
	s5 =	sadd.s32 s4, s3  }
0xb: {  	s10 =	smov.u32 s2;
	s4 =	simm.s32 $0x1;
	s5 =	smul.u32 $0xD, s5  }
0xc: {  	p0 =	por $0x0, $0x0;
	s3 =	sadd.s32 $0x27ADE00, s7;
	[sflag:s4] =	ssyncpa.u1 $0x0  }
0xd: {  	s7 =	sadd.s32 $0x27EDE00, s7;
	[sflag:s8] =	ssyncpa.u1 $0x0;
	s8 =	sadd.s32 $0x1, s5  }
.LBB1_7:
0xe: {  	s15 =	sadd.s32 $0x1000, s10  }
0xf: {  	s13 =	sadd.s32 $0x2, s11;
	s17 =	smov.u32 s11;
	p2 =	sgt.s32 s15, $0x3FFF  }
0x10: {  	s17 =	smov.u32 @p2 s13  }
0x11: {  	s15 =	smov.u32 @p2 s2;
	p2 =	sgt.s32 s17, $0x19  }
0x12: {  	s17 =	simm.s32 @p2 $0x0;
	p2 =	sne.s32 s12, s8  }
.Ltmp1:
0x13: {  	p1 =	slt.u32 s12, $0x2;
	(pc) =	sbr.rel @!p2 .LBB1_8-.Ltmp1, $4  }
0x14: {  	s16 =	simm.s32 @!p1 $0x2  }
0x15: {  	s14 =	smov.u32 s11;
	p0 =	por !p0, !p0;
	_ =	swait.ge @!p1 [sflag:s16], $0x2000  }
0x16: {  	s13 =	smov.u32 s10;
	[sflag:s16] =	ssyncset.done @!p1 $0x0;
	s10 =	smov.u32 s15  }
0x17: {  	s12 =	sadd.s32 $0x1, s12;
	[sflag:s16] =	ssyncadd.s32 @!p1 $0xFFFFE000;
	s11 =	smov.u32 s17  }
.LBB1_1:
0x18: {  	p1 =	sge.u32 s12, s5  }
0x19: {  	s15 =	sxor.u32 @!p1 $0xFFFFFFFF, s12;
	s16 =	sshll.u32 @!p1 s11, $0x12  }
0x1a: {  	s17 =	sshll.u32 @!p1 s10, $0x4;
	s19 =	simm.s32 @!p1 $0x20;
	s20 =	simm.s32 @!p1 $0x80  }
0x1b: {  	s15 =	sshll.u32 @!p1 s15, $0xD;
	s17 =	sand.u32 @!p1 $0x3FFF0, s17;
	s18 =	sadd.s32 @!p1 s3, s16  }
0x1c: {  	s16 =	sadd.s32 @!p1 s16, s7;
	s15 =	sand.u32 @!p1 $0x2000, s15;
	s18 =	sadd.s32 @!p1 s17, s18  }
0x1d: {  	[tilespmem:s15], [sflag:$0x1] =	stream.strided.gather @!p1 [hbm4b:s18+s19], $0x1000, s20, s19, $0x38;
	[tilespmem:$0x8080] =	vst v63  }
0x1e: {  	s31 =	sadd.s32 $0xFFFFFFFF, s12;
	s16 =	sadd.s32 @!p1 s17, s16;
	s15 =	sor.u32 @!p1 $0x1000, s15  }
0x1f: {  	[tilespmem:s15], [sflag:$0x1] =	stream.strided.gather @!p1 [hbm4b:s16+s19], $0x1000, s20, s19, $0x38;
	[tilespmem:$0x8080] =	vst v63  }
0x20: {  	p1 =	sge.u32 s31, s5  }
.Ltmp2:
0x21: {  	_ = 	snop;
	(pc) =	sbr.rel @p1 .LBB1_7-.Ltmp2, $1  }
0x22: {  	_ =	sdelay $0x3  }
0x23: {  	s15 =	simm.s32 $0x1;
	s17 =	sand.u32 $0x1, s12  }
0x24: {  	_ =	swait.ge [sflag:s4], $0x2000;
	s15 =	simm.s32 @!p0 $0x0;
	s17 =	smul.u32 $0x8100, s17  }
0x25: {  	p2 =	por $0x1, $0x1;
	[sflag:s4] =	ssyncset.done $0x0;
	s16 =	smul.u32 $0x8100, s15  }
0x26: {  	s18 =	sshll.u32 s15, $0xF;
	[sflag:s4] =	ssyncadd.s32 $0xFFFFE000;
	s30 =	sshrl.u32 s17, $0x2  }
0x27: {  	s31 =	sshrl.u32 s18, $0x2;
	s18 =	simm.s32 $0x0;
	s16 =	sshrl.u32 s16, $0x2  }
0x28: {  	s15 =	sor.u32 $0x4000, s30;
	s17 =	sadd.s32 $0x10, s31;
	s16 =	sor.u32 $0x4000, s16  }
.LBB1_3:
0x29: {  	s19 =	sshll.u32 s18, $0xC  }
0x2a: {  	s19 =	sand.u32 $0x3FFFF000, s19  }
0x2b: {  	s20 =	sadd.s32 s19, s17  }
0x2c: {  	s31 =	smul.u32 $0x4080, s18;
	v1 =	vld [tilespmem:s20+$0x0]  }
0x2d: {  	v0 =	vld [tilespmem:s20+$0xFFFFFFF0]  }
0x2e: {  	s18 =	sshra.s32 s31, $0x2  }
0x2f: {  	s18 =	sadd.s32 s18, s16  }
0x30: {  	s21 =	sadd.s32 $0x0, s18  }
0x31: {  	p1 =	por p2, p2;
	s19 =	simm.s32 $0x4;
	s20 =	sadd.s32 $0x20, s20;
	[tilespmem:s21+$0x810 ss:$0x81] =	vst.msk $0xffff, v1  }
.LBB1_4:
0x32: {  	v1 =	vld [tilespmem:s20+$0x0];
	p2 =	sne.s32 s19, $0x1FC;
	[tilespmem:s21+$0x0 ss:$0x81] =	vst.msk $0xffff, v0;
	s21 =	smov.u32 s19;
	s19 =	sadd.s32 $0x4, s19  }
.Ltmp3:
0x33: {  	v0 =	vld [tilespmem:s20+$0xFFFFFFF0];
	(pc) =	sbr.rel @p2 .LBB1_4-.Ltmp3, $4  }
0x34: {  	_ = 	snop  }
0x35: {  	s21 =	sshra.s32 s21, $0x2  }
0x36: {  	s21 =	sadd.s32 s21, s18  }
0x37: {  	s20 =	sadd.s32 $0x20, s20;
	[tilespmem:s21+$0x810 ss:$0x81] =	vst.msk $0xffff, v1  }
.Ltmp4:
0x38: {  	(pc) =	sbr.rel @p1 .LBB1_3-.Ltmp4, $2  }
0x39: {  	_ =	sdelay $0x2  }
0x3a: {  	[tilespmem:s21+$0x0 ss:$0x81] =	vst.msk $0xffff, v0;
	s18 =	simm.s32 $0x1;
	p2 =	por $0x0, $0x0  }
0x3b: {  	s16 =	sshll.u32 s13, $0x3;
	s17 =	sand.u32 $0x78, s13;
	s14 =	sshll.u32 s14, $0x10  }
.Ltmp5:
0x3c: {  	s30 =	sand.u32 $0xF800, s13;
	s16 =	sand.u32 $0x3C00, s16;
	(pc) =	sbr.rel .LBB1_7-.Ltmp5, $4  }
0x3d: {  	s31 =	sand.u32 $0x7, s13;
	s14 =	sadd.s32 s6, s14;
	s16 =	sor.u32 s17, s16  }
0x3e: {  	s13 =	sshll.u32 s31, $0x12;
	s14 =	sadd.s32 s30, s14;
	s16 =	sshrl.u32 s16, $0x3  }
0x3f: {  	s13 =	sor.u32 $0x400, s13;
	s14 =	sadd.s32 s16, s14  }
0x40: {  	[hbm4b:s14+s13] =	stream.strided.scatter [tilespmem:s15], [sflag:$0x2], $0x2000, s9, s13, $0x20;
	[tilespmem:$0x8080] =	vst v63  }
.LBB1_8:
0x41: {  	_ =	sfence.sel $0x180000  }
0x42: {  	s2 =	simm.s32 $0x1;
	[bflag:$0x0] =	sbarrier.arrive $0xFFFF  }
0x43: {  	s31 =	simm.s32 $0x2;
	[sflag:s2] =	ssyncpa.u1 $0x1  }
0x44: {  	[sflag:s31] =	ssyncpa.u1 $0x1  }
0x45: {  	p0 =	sne.s32 s0, $0x0;
	_ =	strace $0x9000004A  }
0x46: {  	s0 =	sadd.s32 @!p0 $0x100000, s1;
	[bflag:$0x2] =	sbarrier.arrive $0xFFFF  }
0x47: {  	[sflag:s0] =	ssyncadd.tile.s32 @!p0 $0x1;
	_ =	shalt  }
.Lfunc_end1:
_tile_overlayer_lowered:
.L_overlay_start_2:
0x48: {  	(tag) =	ssettag $0x2  }
0x49: {  	s0 =	rddreg [dreg:$0x0];
	s2 =	stileid.u32  }
0x4a: {  	s1 =	rddreg [dreg:$0x1];
	p0 =	sne.s32 s2, $0x0  }
0x4b: {  	s3 =	rddreg [dreg:$0x2];
	[bflag:$0x3] =	sbarrier.arrive $0xFFFF;
	s2 =	simm.s32 @!p0 $0x1C01  }
0x4c: {  	[timem:s3], [sflag:s2] =	dma.local @!p0 [hbm:s0], s1  }
0x4d: {  	s0 =	simm.s32 @!p0 $0x1  }
0x4e: {  	_ =	swait.ge @!p0 [sflag:s0], s1  }
0x4f: {  	s1 =	ssub.s32 @!p0 $0x0, s1;
	[sflag:s0] =	ssyncset.done @!p0 $0x0  }
0x50: {  	[sflag:s0] =	ssyncadd.s32 @!p0 s1  }
0x51: {  	[bflag:$0x3] =	sbarrier.arrive $0xFFFF  }
0x52: {  	_ =	shalt  }

</sc_bundles>
